<compile_context>
chip_gen: v7x
topology: tpu7x:2x2x1
jax: 0.10.2.dev20260603
libtpu: 0.0.44.dev20260713+nightly
codegen_flags: <defaults>
</compile_context>

<pallas_src>
import functools

import jax
import jax.numpy as jnp
from jax import lax
from jax.experimental import pallas as pl
from jax.experimental.pallas import tpu as pltpu
from jax.experimental.pallas import tpu_sc as plsc

N = 10000
D = 128
H = 128
OUT = 64
B = 512

NCORES = 2
NSUB = 16
NTILES = NCORES * NSUB
CHUNK = 128
NACC = 10112
RPT = NACC // NSUB
DUMMY = N
K0 = 90
K1 = 67
TOTC = NSUB * (K0 + K1)



def _edge_body(xl_h, idx_h, znh_h, ones_h, agg_o, cnt_o,
               idx_v, rows_v, agg_s, sem, want_cnt):
    cid = lax.axis_index("c")
    sid = lax.axis_index("s")
    wid = cid * NSUB + sid
    r0 = sid * RPT
    base = lax.select(cid == 0, sid * K0, NSUB * K0 + sid * K1)
    Lt = lax.select(cid == 0, K0, K1)
    pltpu.sync_copy(znh_h.at[pl.ds(r0, RPT)], agg_s.at[pl.ds(r0, RPT)])
    plsc.subcore_barrier()

    def body(j, carry):
        pltpu.sync_copy(idx_h.at[base + j], idx_v)
        pltpu.async_copy(xl_h.at[idx_v.at[0]], rows_v, sem).wait()
        pltpu.sync_copy(rows_v, agg_s.at[idx_v.at[1]], add=True)
        return carry

    lax.fori_loop(0, Lt, body, 0)
    plsc.subcore_barrier()
    pltpu.sync_copy(agg_s.at[pl.ds(r0, RPT)], agg_o.at[cid, pl.ds(r0, RPT)])

    if want_cnt:
        plsc.subcore_barrier()
        pltpu.sync_copy(znh_h.at[pl.ds(r0, RPT)], agg_s.at[pl.ds(r0, RPT)])
        pltpu.sync_copy(ones_h, rows_v)
        plsc.subcore_barrier()

        def cbody(j, carry):
            pltpu.sync_copy(idx_h.at[base + j], idx_v)
            pltpu.sync_copy(rows_v, agg_s.at[idx_v.at[1]], add=True)
            return carry

        lax.fori_loop(0, Lt, cbody, 0)
        plsc.subcore_barrier()
        pltpu.sync_copy(agg_s.at[pl.ds(r0, RPT)], cnt_o.at[cid, pl.ds(r0, RPT)])


def _edge_pass0(xl, idx3, znh, onesH):
    mesh = plsc.VectorSubcoreMesh(core_axis_name="c", subcore_axis_name="s")
    k = pl.kernel(
        functools.partial(_edge_body, want_cnt=True),
        out_type=[
            jax.ShapeDtypeStruct((NCORES, NACC, H), jnp.float32),
            jax.ShapeDtypeStruct((NCORES, NACC, H), jnp.float32),
        ],
        mesh=mesh,
        scratch_types=[
            pltpu.VMEM((2, CHUNK), jnp.int32),
            pltpu.VMEM((CHUNK, H), jnp.float32),
            pltpu.VMEM_SHARED((NACC, H), jnp.float32),
            pltpu.SemaphoreType.DMA,
        ],
    )
    return k(xl, idx3, znh, onesH)


def _edge_body1(xl_h, idx_h, znh_h, ones_h, agg_o, idx_v, rows_v, agg_s, sem):
    return _edge_body(xl_h, idx_h, znh_h, ones_h, agg_o, None,
                      idx_v, rows_v, agg_s, sem, want_cnt=False)


def _edge_pass1(xl, idx3, znh, onesH):
    mesh = plsc.VectorSubcoreMesh(core_axis_name="c", subcore_axis_name="s")
    k = pl.kernel(
        _edge_body1,
        out_type=jax.ShapeDtypeStruct((NCORES, NACC, H), jnp.float32),
        mesh=mesh,
        scratch_types=[
            pltpu.VMEM((2, CHUNK), jnp.int32),
            pltpu.VMEM((CHUNK, H), jnp.float32),
            pltpu.VMEM_SHARED((NACC, H), jnp.float32),
            pltpu.SemaphoreType.DMA,
        ],
    )
    return k(xl, idx3, znh, onesH)


BACC = 640
RPTB = BACC // NSUB
DUMMYB = B
KP = 3
NROOT = 1024


def _pool_body(h2_h, nidx_h, root_h, znh_h, ones_h, pool_o, cnt_o, root_o,
               idx_v, rows_v, ridx_v, rrows_v, agg_s, sem):
    cid = lax.axis_index("c")
    sid = lax.axis_index("s")
    wid = cid * NSUB + sid
    r0 = sid * RPTB
    pltpu.sync_copy(znh_h.at[pl.ds(r0, RPTB)], agg_s.at[pl.ds(r0, RPTB)])
    plsc.subcore_barrier()

    def body(j, carry):
        pltpu.sync_copy(nidx_h.at[wid, j], idx_v)
        pltpu.async_copy(h2_h.at[idx_v.at[0]], rows_v, sem).wait()
        pltpu.sync_copy(rows_v, agg_s.at[idx_v.at[1]], add=True)
        return carry

    lax.fori_loop(0, KP, body, 0)
    plsc.subcore_barrier()
    pltpu.sync_copy(agg_s.at[pl.ds(r0, RPTB)], pool_o.at[cid, pl.ds(r0, RPTB)])

    plsc.subcore_barrier()
    pltpu.sync_copy(znh_h.at[pl.ds(r0, RPTB)], agg_s.at[pl.ds(r0, RPTB)])
    pltpu.sync_copy(ones_h, rows_v)
    plsc.subcore_barrier()

    def cbody(j, carry):
        pltpu.sync_copy(nidx_h.at[wid, j], idx_v)
        pltpu.sync_copy(rows_v, agg_s.at[idx_v.at[1]], add=True)
        return carry

    lax.fori_loop(0, KP, cbody, 0)
    plsc.subcore_barrier()
    pltpu.sync_copy(agg_s.at[pl.ds(r0, RPTB)], cnt_o.at[cid, pl.ds(r0, RPTB)])

    pltpu.sync_copy(root_h.at[wid], ridx_v.at[0])
    pltpu.async_copy(h2_h.at[ridx_v.at[0]], rrows_v, sem).wait()
    pltpu.sync_copy(rrows_v, root_o.at[pl.ds(pl.multiple_of(wid * 32, 32), 32)])


def _pool_pass(h2, nidx3, rootpad, znh, onesH):
    mesh = plsc.VectorSubcoreMesh(core_axis_name="c", subcore_axis_name="s")
    k = pl.kernel(
        _pool_body,
        out_type=[
            jax.ShapeDtypeStruct((NCORES, BACC, H), jnp.float32),
            jax.ShapeDtypeStruct((NCORES, BACC, H), jnp.float32),
            jax.ShapeDtypeStruct((NROOT, H), jnp.float32),
        ],
        mesh=mesh,
        scratch_types=[
            pltpu.VMEM((2, CHUNK), jnp.int32),
            pltpu.VMEM((CHUNK, H), jnp.float32),
            pltpu.VMEM((1, 32), jnp.int32),
            pltpu.VMEM((32, H), jnp.float32),
            pltpu.VMEM_SHARED((BACC, H), jnp.float32),
            pltpu.SemaphoreType.DMA,
        ],
    )
    return k(h2, nidx3, rootpad, znh, onesH)


RB = 1000
RBF = 400


def _pre_body(x_ref, wl_ref, wr_ref, b_ref, xl_ref, xr_ref):
    x = x_ref[...]
    xl_ref[...] = jnp.dot(x, wl_ref[...], preferred_element_type=jnp.float32)
    xr_ref[...] = jnp.dot(x, wr_ref[...], preferred_element_type=jnp.float32) + b_ref[...]


def _pre(x, wl, wr, b):
    return pl.pallas_call(
        _pre_body,
        grid=(N // RB,),
        in_specs=[
            pl.BlockSpec((RB, D), lambda i: (i, 0)),
            pl.BlockSpec((D, H), lambda i: (0, 0)),
            pl.BlockSpec((D, H), lambda i: (0, 0)),
            pl.BlockSpec((1, H), lambda i: (0, 0)),
        ],
        out_specs=[
            pl.BlockSpec((RB, H), lambda i: (i, 0)),
            pl.BlockSpec((RB, H), lambda i: (i, 0)),
        ],
        out_shape=[
            jax.ShapeDtypeStruct((N, H), jnp.float32),
            jax.ShapeDtypeStruct((N, H), jnp.float32),
        ],
    )(x, wl, wr, b)


def _mid_body(a0_ref, a1_ref, c0_ref, c1_ref, xr_ref, wl_ref, wr_ref, b_ref,
              xl1_ref, xr1_ref):
    cnt = jnp.maximum(c0_ref[...][:, 0:1] + c1_ref[...][:, 0:1], 1.0)
    h = jnp.maximum((a0_ref[...] + a1_ref[...]) / cnt + xr_ref[...], 0.0)
    xl1_ref[...] = jnp.dot(h, wl_ref[...], preferred_element_type=jnp.float32)
    xr1_ref[...] = jnp.dot(h, wr_ref[...], preferred_element_type=jnp.float32) + b_ref[...]


def _mid(a0, a1, c0, c1, xr, wl, wr, b):
    return pl.pallas_call(
        _mid_body,
        grid=(N // RB,),
        in_specs=[
            pl.BlockSpec((RB, H), lambda i: (i, 0)),
            pl.BlockSpec((RB, H), lambda i: (i, 0)),
            pl.BlockSpec((RB, H), lambda i: (i, 0)),
            pl.BlockSpec((RB, H), lambda i: (i, 0)),
            pl.BlockSpec((RB, H), lambda i: (i, 0)),
            pl.BlockSpec((H, H), lambda i: (0, 0)),
            pl.BlockSpec((H, H), lambda i: (0, 0)),
            pl.BlockSpec((1, H), lambda i: (0, 0)),
        ],
        out_specs=[
            pl.BlockSpec((RB, H), lambda i: (i, 0)),
            pl.BlockSpec((RB, H), lambda i: (i, 0)),
        ],
        out_shape=[
            jax.ShapeDtypeStruct((N, H), jnp.float32),
            jax.ShapeDtypeStruct((N, H), jnp.float32),
        ],
    )(a0, a1, c0, c1, xr, wl, wr, b)


def _post_body(a0_ref, a1_ref, c0_ref, c1_ref, xr_ref, h2_ref):
    cnt = jnp.maximum(c0_ref[...][:, 0:1] + c1_ref[...][:, 0:1], 1.0)
    h2_ref[...] = jnp.maximum((a0_ref[...] + a1_ref[...]) / cnt + xr_ref[...], 0.0)


def _post(a0, a1, c0, c1, xr):
    return pl.pallas_call(
        _post_body,
        grid=(N // RB,),
        in_specs=[pl.BlockSpec((RB, H), lambda i: (i, 0))] * 5,
        out_specs=pl.BlockSpec((RB, H), lambda i: (i, 0)),
        out_shape=jax.ShapeDtypeStruct((N, H), jnp.float32),
    )(a0, a1, c0, c1, xr)


def _fin2_body(p0_ref, p1_ref, c0_ref, c1_ref, root_ref, wrl_ref, wpl_ref,
               blin_ref, out_ref):
    cnt = jnp.maximum(c0_ref[...][:, 0:1] + c1_ref[...][:, 0:1], 1.0)
    pooled = (p0_ref[...] + p1_ref[...]) / cnt
    logits = (jnp.dot(root_ref[...], wrl_ref[...], preferred_element_type=jnp.float32)
              + jnp.dot(pooled, wpl_ref[...], preferred_element_type=jnp.float32)
              + blin_ref[...])
    m = jnp.max(logits, axis=-1, keepdims=True)
    e = logits - m
    lse = jnp.log(jnp.sum(jnp.exp(e), axis=-1, keepdims=True))
    out_ref[...] = e - lse


def _fin2(p0, p1, c0, c1, root, wrl, wpl, blin):
    return pl.pallas_call(
        _fin2_body,
        grid=(1,),
        in_specs=[
            pl.BlockSpec((B, H), lambda i: (0, 0)),
            pl.BlockSpec((B, H), lambda i: (0, 0)),
            pl.BlockSpec((B, H), lambda i: (0, 0)),
            pl.BlockSpec((B, H), lambda i: (0, 0)),
            pl.BlockSpec((B, H), lambda i: (0, 0)),
            pl.BlockSpec((H, OUT), lambda i: (0, 0)),
            pl.BlockSpec((H, OUT), lambda i: (0, 0)),
            pl.BlockSpec((1, OUT), lambda i: (0, 0)),
        ],
        out_specs=pl.BlockSpec((B, OUT), lambda i: (0, 0)),
        out_shape=jax.ShapeDtypeStruct((B, OUT), jnp.float32),
    )(p0, p1, c0, c1, root, wrl, wpl, blin)


def kernel(x, edge_index, batch, root_n_id, Wl0, Wr0, b0, Wl1, Wr1, b1, Wlin, blin):
    E = edge_index.shape[1]
    ei = edge_index.astype(jnp.int32)
    epad = TOTC * CHUNK
    src3 = jnp.concatenate(
        [ei[0], jnp.zeros((epad - E,), jnp.int32)]).reshape(TOTC, 1, CHUNK)
    dst3 = jnp.concatenate(
        [ei[1], jnp.full((epad - E,), DUMMY, jnp.int32)]).reshape(TOTC, 1, CHUNK)
    idx3 = jnp.concatenate([src3, dst3], axis=1)
    npad = NTILES * KP * CHUNK
    nsrc = jnp.concatenate(
        [jnp.arange(N, dtype=jnp.int32),
         jnp.zeros((npad - N,), jnp.int32)]).reshape(NTILES, KP, 1, CHUNK)
    ndst = jnp.concatenate(
        [batch.astype(jnp.int32),
         jnp.full((npad - N,), DUMMYB, jnp.int32)]).reshape(NTILES, KP, 1, CHUNK)
    nidx3 = jnp.concatenate([nsrc, ndst], axis=2)
    rootpad = jnp.concatenate(
        [root_n_id.astype(jnp.int32),
         jnp.zeros((NROOT - B,), jnp.int32)]).reshape(NTILES, 32)
    znh = jnp.zeros((NACC, H), jnp.float32)
    onesH = jnp.ones((CHUNK, H), jnp.float32)
    b0r = b0.reshape(1, H)
    b1r = b1.reshape(1, H)
    blinr = blin.reshape(1, OUT)
    wrl = Wlin[:H]
    wpl = Wlin[H:]

    xl0, xr0 = _pre(x, Wl0, Wr0, b0r)
    aggp0, cntp = _edge_pass0(xl0, idx3, znh, onesH)
    xl1, xr1 = _mid(aggp0[0, :N], aggp0[1, :N], cntp[0, :N], cntp[1, :N],
                    xr0, Wl1, Wr1, b1r)
    aggp1 = _edge_pass1(xl1, idx3, znh, onesH)
    h2 = _post(aggp1[0, :N], aggp1[1, :N], cntp[0, :N], cntp[1, :N], xr1)
    poolp, pcntp, roots = _pool_pass(h2, nidx3, rootpad, znh, onesH)
    return _fin2(poolp[0, :B], poolp[1, :B], pcntp[0, :B], pcntp[1, :B],
                 roots[:B], wrl, wpl, blinr)

# --- scband reference (transcript-rebuilt; emitter-appended) ---
"""Pipeline reference for scband-sha-dow-gcn-55490977465225 (READ-ONLY COPY).

The authoritative reference and input builder live on the scoring server;
editing this copy changes nothing except your own understanding.
"""

import jax, jax.numpy as jnp
import numpy as np

N = 10000
E = 320000
D = 128
H = 128
OUT = 64
B = 512


def setup_inputs(seed: int = 0) -> dict:
    key = jax.random.key(seed)
    ks = jax.random.split(key, 16)
    x = jax.random.normal(ks[0], (N, D), dtype=jnp.float32)
    edge_index = jax.random.randint(ks[1], (2, E), 0, N, dtype=jnp.int64)
    batch = jnp.sort(jax.random.randint(ks[2], (N,), 0, B, dtype=jnp.int64))
    root_n_id = jax.random.randint(ks[3], (B,), 0, N, dtype=jnp.int64)
    s0 = 1.0 / np.sqrt(D)
    s1 = 1.0 / np.sqrt(H)
    s2 = 1.0 / np.sqrt(2 * H)
    Wl0 = jax.random.normal(ks[4], (D, H), dtype=jnp.float32) * s0
    Wr0 = jax.random.normal(ks[5], (D, H), dtype=jnp.float32) * s0
    b0 = jnp.zeros((H,), dtype=jnp.float32)
    Wl1 = jax.random.normal(ks[6], (H, H), dtype=jnp.float32) * s1
    Wr1 = jax.random.normal(ks[7], (H, H), dtype=jnp.float32) * s1
    b1 = jnp.zeros((H,), dtype=jnp.float32)
    Wlin = jax.random.normal(ks[8], (2 * H, OUT), dtype=jnp.float32) * s2
    blin = jnp.zeros((OUT,), dtype=jnp.float32)
    return {"x": x, "edge_index": edge_index, "batch": batch, "root_n_id": root_n_id,
            "Wl0": Wl0, "Wr0": Wr0, "b0": b0, "Wl1": Wl1, "Wr1": Wr1, "b1": b1,
            "Wlin": Wlin, "blin": blin}


def _sage_conv(x, edge_index, Wl, Wr, b):
    # PyG SAGEConv with mean aggregation: lin_l(mean_neighbors) + lin_r(x) + bias
    src = edge_index[0]
    dst = edge_index[1]
    msg = jnp.take(x, src, axis=0)
    agg = jax.ops.segment_sum(msg, dst, num_segments=N)
    cnt = jax.ops.segment_sum(jnp.ones((E,), dtype=x.dtype), dst, num_segments=N)
    agg = agg / jnp.maximum(cnt, 1.0)[:, None]
    return agg @ Wl + x @ Wr + b


def _global_mean_pool(x, batch, num_graphs):
    s = jax.ops.segment_sum(x, batch, num_segments=num_graphs)
    c = jax.ops.segment_sum(jnp.ones((x.shape[0],), dtype=x.dtype), batch, num_segments=num_graphs)
    return s / jnp.maximum(c, 1.0)[:, None]


def reference(x, edge_index, batch, root_n_id, Wl0, Wr0, b0, Wl1, Wr1, b1, Wlin, blin):
    h = jax.nn.relu(_sage_conv(x, edge_index, Wl0, Wr0, b0))
    # dropout is identity in eval mode
    h = jax.nn.relu(_sage_conv(h, edge_index, Wl1, Wr1, b1))
    root = jnp.take(h, root_n_id, axis=0)
    pooled = _global_mean_pool(h, batch, B)
    z = jnp.concatenate([root, pooled], axis=-1)
    logits = z @ Wlin + blin
    return jax.nn.log_softmax(logits, axis=-1)

if __name__ == "__main__":
    import jax
    _d = setup_inputs()
    print(jax.jit(kernel)(*tuple(_d.values())))

</pallas_src>

<mosaic_0001>
#map = affine_map<(d0, d1) -> (0, 0)>
#map1 = affine_map<(d0, d1) -> (0, 0, 0)>
module attributes {stable_mosaic.version = 14 : i64} {
  func.func @_edge_body(%arg0: i32, %arg1: i32, %arg2: memref<10000x128xf32, #tpu.memory_space<hbm>>, %arg3: memref<2512x2x128xi32, #tpu.memory_space<hbm>>, %arg4: memref<10112x128xf32, #tpu.memory_space<hbm>>, %arg5: memref<128x128xf32, #tpu.memory_space<hbm>>, %arg6: memref<2x10112x128xf32, #tpu.memory_space<hbm>>, %arg7: memref<2x10112x128xf32, #tpu.memory_space<hbm>>, %arg8: memref<2x128xi32, #tpu.memory_space<vmem>>, %arg9: memref<128x128xf32, #tpu.memory_space<vmem>>, %arg10: memref<10112x128xf32, #tpu.memory_space<vmem_shared>>, %arg11: memref<!tpu.dma_semaphore, #tpu.memory_space<semaphore_mem>>) attributes {dimension_semantics = [#tpu.dimension_semantics<core_parallel>, #tpu.dimension_semantics<subcore_parallel>], iteration_bounds = array<i64: 2, 16>, scalar_prefetch = 0 : i64, scratch_operands = 4 : i64, tpu.core_type = #tpu.core_type<sc_vector_subcore>, window_params = [{transform_indices = #map}, {transform_indices = #map1}, {transform_indices = #map}, {transform_indices = #map}, {transform_indices = #map1}, {transform_indices = #map1}]} {
    %mul3A = arith.constant 16 : i32
    %mul3A_0 = arith.muli %arg0, %mul3A : i32
    %add3A = arith.addi %mul3A_0, %arg1 : i32
    %mul3A_1 = arith.constant 632 : i32
    %mul3A_2 = arith.muli %arg1, %mul3A_1 : i32
    %eq3A = arith.constant 0 : i32
    %eq3A_3 = arith.cmpi eq, %arg0, %eq3A : i32
    %mul3A_4 = arith.constant 90 : i32
    %mul3A_5 = arith.muli %arg1, %mul3A_4 : i32
    %mul3A_6 = arith.constant 67 : i32
    %mul3A_7 = arith.muli %arg1, %mul3A_6 : i32
    %add3A_8 = arith.constant 1440 : i32
    %add3A_9 = arith.addi %add3A_8, %mul3A_7 : i32
    %select_n3A = arith.select %eq3A_3, %mul3A_5, %add3A_9 : i32
    %eq3A_10 = arith.constant 0 : i32
    %eq3A_11 = arith.cmpi eq, %arg0, %eq3A_10 : i32
    %select_n3A_12 = arith.constant 67 : i32
    %select_n3A_13 = arith.constant 90 : i32
    %select_n3A_14 = arith.select %eq3A_11, %select_n3A_13, %select_n3A_12 : i32
    "tpu.region"() ({
      %run_scoped3A = tpu.sem_alloc : memref<!tpu.dma_semaphore, #tpu.memory_space<semaphore_mem>>
      %dma_start3A = arith.constant 0 : i32
      %dma_start3A_38 = tpu.memref_slice %arg10[%mul3A_2, %dma_start3A] : memref<10112x128xf32, #tpu.memory_space<vmem_shared>> -> memref<632x128xf32, #tpu.memory_space<vmem_shared>>
      %dma_start3A_39 = arith.constant 0 : i32
      %dma_start3A_40 = tpu.memref_slice %arg4[%mul3A_2, %dma_start3A_39] : memref<10112x128xf32, #tpu.memory_space<hbm>> -> memref<632x128xf32, #tpu.memory_space<hbm>>
      tpu.enqueue_dma source(%dma_start3A_40 : memref<632x128xf32, #tpu.memory_space<hbm>>) target(%dma_start3A_38 : memref<632x128xf32, #tpu.memory_space<vmem_shared>>) target_semaphore(%run_scoped3A : memref<!tpu.dma_semaphore, #tpu.memory_space<semaphore_mem>>)
      %dma_wait3A = arith.constant 0 : i32
      %dma_wait3A_41 = tpu.memref_slice %arg10[%mul3A_2, %dma_wait3A] : memref<10112x128xf32, #tpu.memory_space<vmem_shared>> -> memref<632x128xf32, #tpu.memory_space<vmem_shared>>
      %dma_wait3A_42 = arith.constant 0 : i32
      %dma_wait3A_43 = tpu.memref_slice %arg4[%mul3A_2, %dma_wait3A_42] : memref<10112x128xf32, #tpu.memory_space<hbm>> -> memref<632x128xf32, #tpu.memory_space<hbm>>
      tpu.wait_dma2 semaphore(%run_scoped3A : memref<!tpu.dma_semaphore, #tpu.memory_space<semaphore_mem>>) src(%dma_wait3A_43 : memref<632x128xf32, #tpu.memory_space<hbm>>) dst(%dma_wait3A_41 : memref<632x128xf32, #tpu.memory_space<vmem_shared>>)
      tpu.yield
    }) : () -> ()
    %barrier3A = arith.constant 0 : index
    tpu.barrier barrier_id(%barrier3A)
    %while3A = arith.constant 0 : i32
    %while3A_15 = arith.constant 0 : i32
    %while3A_16 = arith.subi %select_n3A_14, %while3A_15 : i32
    %while3A_17 = arith.addi %while3A_15, %while3A_16 : i32
    %while3A_18 = arith.constant 1 : i32
    %while3A_19 = arith.divsi %while3A_16, %while3A_18 : i32
    %while3A_20 = arith.muli %while3A_19, %while3A_18 : i32
    %while3A_21 = arith.addi %while3A_15, %while3A_20 : i32
    %while3A_22 = arith.constant 1 : i32
    scf.for %while3A_38 = %while3A_15 to %while3A_21 step %while3A_22  : i32 {
      %add3A_39 = arith.addi %select_n3A, %while3A_38 : i32
      "tpu.region"() ({
        %run_scoped3A_52 = tpu.sem_alloc : memref<!tpu.dma_semaphore, #tpu.memory_space<semaphore_mem>>
        %dma_start3A_53 = arith.constant 0 : i32
        %dma_start3A_54 = arith.constant 0 : i32
        %dma_start3A_55 = tpu.memref_slice %arg3[%add3A_39, %dma_start3A_53, %dma_start3A_54] : memref<2512x2x128xi32, #tpu.memory_space<hbm>> -> memref<1x2x128xi32, #tpu.memory_space<hbm>>
        %dma_start3A_56 = tpu.memref_squeeze %dma_start3A_55 : memref<1x2x128xi32, #tpu.memory_space<hbm>> -> memref<2x128xi32, #tpu.memory_space<hbm>>
        %dma_start3A_57 = arith.constant 0 : i32
        %dma_start3A_58 = arith.constant 0 : i32
        %dma_start3A_59 = tpu.memref_slice %arg3[%add3A_39, %dma_start3A_57, %dma_start3A_58] : memref<2512x2x128xi32, #tpu.memory_space<hbm>> -> memref<1x2x128xi32, #tpu.memory_space<hbm>>
        %dma_start3A_60 = tpu.memref_squeeze %dma_start3A_59 : memref<1x2x128xi32, #tpu.memory_space<hbm>> -> memref<2x128xi32, #tpu.memory_space<hbm>>
        tpu.enqueue_dma source(%dma_start3A_60 : memref<2x128xi32, #tpu.memory_space<hbm>>) target(%arg8 : memref<2x128xi32, #tpu.memory_space<vmem>>) target_semaphore(%run_scoped3A_52 : memref<!tpu.dma_semaphore, #tpu.memory_space<semaphore_mem>>)
        %dma_wait3A_61 = arith.constant 0 : i32
        %dma_wait3A_62 = arith.constant 0 : i32
        %dma_wait3A_63 = tpu.memref_slice %arg3[%add3A_39, %dma_wait3A_61, %dma_wait3A_62] : memref<2512x2x128xi32, #tpu.memory_space<hbm>> -> memref<1x2x128xi32, #tpu.memory_space<hbm>>
        %dma_wait3A_64 = tpu.memref_squeeze %dma_wait3A_63 : memref<1x2x128xi32, #tpu.memory_space<hbm>> -> memref<2x128xi32, #tpu.memory_space<hbm>>
        %dma_wait3A_65 = arith.constant 0 : i32
        %dma_wait3A_66 = arith.constant 0 : i32
        %dma_wait3A_67 = tpu.memref_slice %arg3[%add3A_39, %dma_wait3A_65, %dma_wait3A_66] : memref<2512x2x128xi32, #tpu.memory_space<hbm>> -> memref<1x2x128xi32, #tpu.memory_space<hbm>>
        %dma_wait3A_68 = tpu.memref_squeeze %dma_wait3A_67 : memref<1x2x128xi32, #tpu.memory_space<hbm>> -> memref<2x128xi32, #tpu.memory_space<hbm>>
        tpu.wait_dma2 semaphore(%run_scoped3A_52 : memref<!tpu.dma_semaphore, #tpu.memory_space<semaphore_mem>>) src(%dma_wait3A_68 : memref<2x128xi32, #tpu.memory_space<hbm>>) dst(%arg8 : memref<2x128xi32, #tpu.memory_space<vmem>>)
        tpu.yield
      }) : () -> ()
      %dma_start3A = arith.constant 0 : i32
      %dma_start3A_40 = arith.constant 0 : i32
      %dma_start3A_41 = tpu.memref_slice %arg8[%dma_start3A, %dma_start3A_40] : memref<2x128xi32, #tpu.memory_space<vmem>> -> memref<1x128xi32, #tpu.memory_space<vmem>>
      %dma_start3A_42 = tpu.memref_squeeze %dma_start3A_41 : memref<1x128xi32, #tpu.memory_space<vmem>> -> memref<128xi32, #tpu.memory_space<vmem>>
      %dma_start3A_43 = arith.constant 0 : i32
      %dma_start3A_44 = arith.constant 0 : i32
      %dma_start3A_45 = tpu.memref_slice %arg2[%dma_start3A_43, %dma_start3A_44] : memref<10000x128xf32, #tpu.memory_space<hbm>> -> memref<10000x128xf32, #tpu.memory_space<hbm>>
      tpu.enqueue_indirect_dma source(%dma_start3A_45 : memref<10000x128xf32, #tpu.memory_space<hbm>>) target(%arg9 : memref<128x128xf32, #tpu.memory_space<vmem>>) offsets(%dma_start3A_42 : memref<128xi32, #tpu.memory_space<vmem>>) semaphore(%arg11 : memref<!tpu.dma_semaphore, #tpu.memory_space<semaphore_mem>>)
      %dma_wait3A = arith.constant 0 : i32
      %dma_wait3A_46 = arith.constant 0 : i32
      %dma_wait3A_47 = tpu.memref_slice %arg8[%dma_wait3A, %dma_wait3A_46] : memref<2x128xi32, #tpu.memory_space<vmem>> -> memref<1x128xi32, #tpu.memory_space<vmem>>
      %dma_wait3A_48 = tpu.memref_squeeze %dma_wait3A_47 : memref<1x128xi32, #tpu.memory_space<vmem>> -> memref<128xi32, #tpu.memory_space<vmem>>
      %dma_wait3A_49 = arith.constant 0 : i32
      %dma_wait3A_50 = arith.constant 0 : i32
      %dma_wait3A_51 = tpu.memref_slice %arg2[%dma_wait3A_49, %dma_wait3A_50] : memref<10000x128xf32, #tpu.memory_space<hbm>> -> memref<10000x128xf32, #tpu.memory_space<hbm>>
      tpu.wait_indirect_dma semaphore(%arg11 : memref<!tpu.dma_semaphore, #tpu.memory_space<semaphore_mem>>) src(%dma_wait3A_51 : memref<10000x128xf32, #tpu.memory_space<hbm>>) dst(%arg9 : memref<128x128xf32, #tpu.memory_space<vmem>>)
      %run_scoped3A = arith.constant 1 : i32
      "tpu.region"() ({
        %run_scoped3A_52 = tpu.sem_alloc : memref<!tpu.dma_semaphore, #tpu.memory_space<semaphore_mem>>
        %dma_start3A_53 = arith.constant 0 : i32
        %dma_start3A_54 = tpu.memref_slice %arg8[%run_scoped3A, %dma_start3A_53] : memref<2x128xi32, #tpu.memory_space<vmem>> -> memref<1x128xi32, #tpu.memory_space<vmem>>
        %dma_start3A_55 = tpu.memref_squeeze %dma_start3A_54 : memref<1x128xi32, #tpu.memory_space<vmem>> -> memref<128xi32, #tpu.memory_space<vmem>>
        %dma_start3A_56 = arith.constant 0 : i32
        %dma_start3A_57 = arith.constant 0 : i32
        %dma_start3A_58 = tpu.memref_slice %arg10[%dma_start3A_56, %dma_start3A_57] : memref<10112x128xf32, #tpu.memory_space<vmem_shared>> -> memref<10112x128xf32, #tpu.memory_space<vmem_shared>>
        tpu.enqueue_indirect_dma source(%arg9 : memref<128x128xf32, #tpu.memory_space<vmem>>) target(%dma_start3A_58 : memref<10112x128xf32, #tpu.memory_space<vmem_shared>>) offsets(%dma_start3A_55 : memref<128xi32, #tpu.memory_space<vmem>>) semaphore(%run_scoped3A_52 : memref<!tpu.dma_semaphore, #tpu.memory_space<semaphore_mem>>) {add = true}
        %dma_wait3A_59 = arith.constant 0 : i32
        %dma_wait3A_60 = tpu.memref_slice %arg8[%run_scoped3A, %dma_wait3A_59] : memref<2x128xi32, #tpu.memory_space<vmem>> -> memref<1x128xi32, #tpu.memory_space<vmem>>
        %dma_wait3A_61 = tpu.memref_squeeze %dma_wait3A_60 : memref<1x128xi32, #tpu.memory_space<vmem>> -> memref<128xi32, #tpu.memory_space<vmem>>
        %dma_wait3A_62 = arith.constant 0 : i32
        %dma_wait3A_63 = arith.constant 0 : i32
        %dma_wait3A_64 = tpu.memref_slice %arg10[%dma_wait3A_62, %dma_wait3A_63] : memref<10112x128xf32, #tpu.memory_space<vmem_shared>> -> memref<10112x128xf32, #tpu.memory_space<vmem_shared>>
        tpu.wait_indirect_dma semaphore(%run_scoped3A_52 : memref<!tpu.dma_semaphore, #tpu.memory_space<semaphore_mem>>) src(%arg9 : memref<128x128xf32, #tpu.memory_space<vmem>>) dst(%dma_wait3A_64 : memref<10112x128xf32, #tpu.memory_space<vmem_shared>>)
        tpu.yield
      }) : () -> ()
    }
    %while3A_23 = arith.constant 1 : i32
    scf.for %while3A_38 = %while3A_21 to %while3A_17 step %while3A_23  : i32 {
      %add3A_39 = arith.addi %select_n3A, %while3A_38 : i32
      "tpu.region"() ({
        %run_scoped3A_52 = tpu.sem_alloc : memref<!tpu.dma_semaphore, #tpu.memory_space<semaphore_mem>>
        %dma_start3A_53 = arith.constant 0 : i32
        %dma_start3A_54 = arith.constant 0 : i32
        %dma_start3A_55 = tpu.memref_slice %arg3[%add3A_39, %dma_start3A_53, %dma_start3A_54] : memref<2512x2x128xi32, #tpu.memory_space<hbm>> -> memref<1x2x128xi32, #tpu.memory_space<hbm>>
        %dma_start3A_56 = tpu.memref_squeeze %dma_start3A_55 : memref<1x2x128xi32, #tpu.memory_space<hbm>> -> memref<2x128xi32, #tpu.memory_space<hbm>>
        %dma_start3A_57 = arith.constant 0 : i32
        %dma_start3A_58 = arith.constant 0 : i32
        %dma_start3A_59 = tpu.memref_slice %arg3[%add3A_39, %dma_start3A_57, %dma_start3A_58] : memref<2512x2x128xi32, #tpu.memory_space<hbm>> -> memref<1x2x128xi32, #tpu.memory_space<hbm>>
        %dma_start3A_60 = tpu.memref_squeeze %dma_start3A_59 : memref<1x2x128xi32, #tpu.memory_space<hbm>> -> memref<2x128xi32, #tpu.memory_space<hbm>>
        tpu.enqueue_dma source(%dma_start3A_60 : memref<2x128xi32, #tpu.memory_space<hbm>>) target(%arg8 : memref<2x128xi32, #tpu.memory_space<vmem>>) target_semaphore(%run_scoped3A_52 : memref<!tpu.dma_semaphore, #tpu.memory_space<semaphore_mem>>)
        %dma_wait3A_61 = arith.constant 0 : i32
        %dma_wait3A_62 = arith.constant 0 : i32
        %dma_wait3A_63 = tpu.memref_slice %arg3[%add3A_39, %dma_wait3A_61, %dma_wait3A_62] : memref<2512x2x128xi32, #tpu.memory_space<hbm>> -> memref<1x2x128xi32, #tpu.memory_space<hbm>>
        %dma_wait3A_64 = tpu.memref_squeeze %dma_wait3A_63 : memref<1x2x128xi32, #tpu.memory_space<hbm>> -> memref<2x128xi32, #tpu.memory_space<hbm>>
        %dma_wait3A_65 = arith.constant 0 : i32
        %dma_wait3A_66 = arith.constant 0 : i32
        %dma_wait3A_67 = tpu.memref_slice %arg3[%add3A_39, %dma_wait3A_65, %dma_wait3A_66] : memref<2512x2x128xi32, #tpu.memory_space<hbm>> -> memref<1x2x128xi32, #tpu.memory_space<hbm>>
        %dma_wait3A_68 = tpu.memref_squeeze %dma_wait3A_67 : memref<1x2x128xi32, #tpu.memory_space<hbm>> -> memref<2x128xi32, #tpu.memory_space<hbm>>
        tpu.wait_dma2 semaphore(%run_scoped3A_52 : memref<!tpu.dma_semaphore, #tpu.memory_space<semaphore_mem>>) src(%dma_wait3A_68 : memref<2x128xi32, #tpu.memory_space<hbm>>) dst(%arg8 : memref<2x128xi32, #tpu.memory_space<vmem>>)
        tpu.yield
      }) : () -> ()
      %dma_start3A = arith.constant 0 : i32
      %dma_start3A_40 = arith.constant 0 : i32
      %dma_start3A_41 = tpu.memref_slice %arg8[%dma_start3A, %dma_start3A_40] : memref<2x128xi32, #tpu.memory_space<vmem>> -> memref<1x128xi32, #tpu.memory_space<vmem>>
      %dma_start3A_42 = tpu.memref_squeeze %dma_start3A_41 : memref<1x128xi32, #tpu.memory_space<vmem>> -> memref<128xi32, #tpu.memory_space<vmem>>
      %dma_start3A_43 = arith.constant 0 : i32
      %dma_start3A_44 = arith.constant 0 : i32
      %dma_start3A_45 = tpu.memref_slice %arg2[%dma_start3A_43, %dma_start3A_44] : memref<10000x128xf32, #tpu.memory_space<hbm>> -> memref<10000x128xf32, #tpu.memory_space<hbm>>
      tpu.enqueue_indirect_dma source(%dma_start3A_45 : memref<10000x128xf32, #tpu.memory_space<hbm>>) target(%arg9 : memref<128x128xf32, #tpu.memory_space<vmem>>) offsets(%dma_start3A_42 : memref<128xi32, #tpu.memory_space<vmem>>) semaphore(%arg11 : memref<!tpu.dma_semaphore, #tpu.memory_space<semaphore_mem>>)
      %dma_wait3A = arith.constant 0 : i32
      %dma_wait3A_46 = arith.constant 0 : i32
      %dma_wait3A_47 = tpu.memref_slice %arg8[%dma_wait3A, %dma_wait3A_46] : memref<2x128xi32, #tpu.memory_space<vmem>> -> memref<1x128xi32, #tpu.memory_space<vmem>>
      %dma_wait3A_48 = tpu.memref_squeeze %dma_wait3A_47 : memref<1x128xi32, #tpu.memory_space<vmem>> -> memref<128xi32, #tpu.memory_space<vmem>>
      %dma_wait3A_49 = arith.constant 0 : i32
      %dma_wait3A_50 = arith.constant 0 : i32
      %dma_wait3A_51 = tpu.memref_slice %arg2[%dma_wait3A_49, %dma_wait3A_50] : memref<10000x128xf32, #tpu.memory_space<hbm>> -> memref<10000x128xf32, #tpu.memory_space<hbm>>
      tpu.wait_indirect_dma semaphore(%arg11 : memref<!tpu.dma_semaphore, #tpu.memory_space<semaphore_mem>>) src(%dma_wait3A_51 : memref<10000x128xf32, #tpu.memory_space<hbm>>) dst(%arg9 : memref<128x128xf32, #tpu.memory_space<vmem>>)
      %run_scoped3A = arith.constant 1 : i32
      "tpu.region"() ({
        %run_scoped3A_52 = tpu.sem_alloc : memref<!tpu.dma_semaphore, #tpu.memory_space<semaphore_mem>>
        %dma_start3A_53 = arith.constant 0 : i32
        %dma_start3A_54 = tpu.memref_slice %arg8[%run_scoped3A, %dma_start3A_53] : memref<2x128xi32, #tpu.memory_space<vmem>> -> memref<1x128xi32, #tpu.memory_space<vmem>>
        %dma_start3A_55 = tpu.memref_squeeze %dma_start3A_54 : memref<1x128xi32, #tpu.memory_space<vmem>> -> memref<128xi32, #tpu.memory_space<vmem>>
        %dma_start3A_56 = arith.constant 0 : i32
        %dma_start3A_57 = arith.constant 0 : i32
        %dma_start3A_58 = tpu.memref_slice %arg10[%dma_start3A_56, %dma_start3A_57] : memref<10112x128xf32, #tpu.memory_space<vmem_shared>> -> memref<10112x128xf32, #tpu.memory_space<vmem_shared>>
        tpu.enqueue_indirect_dma source(%arg9 : memref<128x128xf32, #tpu.memory_space<vmem>>) target(%dma_start3A_58 : memref<10112x128xf32, #tpu.memory_space<vmem_shared>>) offsets(%dma_start3A_55 : memref<128xi32, #tpu.memory_space<vmem>>) semaphore(%run_scoped3A_52 : memref<!tpu.dma_semaphore, #tpu.memory_space<semaphore_mem>>) {add = true}
        %dma_wait3A_59 = arith.constant 0 : i32
        %dma_wait3A_60 = tpu.memref_slice %arg8[%run_scoped3A, %dma_wait3A_59] : memref<2x128xi32, #tpu.memory_space<vmem>> -> memref<1x128xi32, #tpu.memory_space<vmem>>
        %dma_wait3A_61 = tpu.memref_squeeze %dma_wait3A_60 : memref<1x128xi32, #tpu.memory_space<vmem>> -> memref<128xi32, #tpu.memory_space<vmem>>
        %dma_wait3A_62 = arith.constant 0 : i32
        %dma_wait3A_63 = arith.constant 0 : i32
        %dma_wait3A_64 = tpu.memref_slice %arg10[%dma_wait3A_62, %dma_wait3A_63] : memref<10112x128xf32, #tpu.memory_space<vmem_shared>> -> memref<10112x128xf32, #tpu.memory_space<vmem_shared>>
        tpu.wait_indirect_dma semaphore(%run_scoped3A_52 : memref<!tpu.dma_semaphore, #tpu.memory_space<semaphore_mem>>) src(%arg9 : memref<128x128xf32, #tpu.memory_space<vmem>>) dst(%dma_wait3A_64 : memref<10112x128xf32, #tpu.memory_space<vmem_shared>>)
        tpu.yield
      }) : () -> ()
    }
    %barrier3A_24 = arith.constant 0 : index
    tpu.barrier barrier_id(%barrier3A_24)
    "tpu.region"() ({
      %run_scoped3A = tpu.sem_alloc : memref<!tpu.dma_semaphore, #tpu.memory_space<semaphore_mem>>
      %dma_start3A = arith.constant 0 : i32
      %dma_start3A_38 = tpu.memref_slice %arg6[%arg0, %mul3A_2, %dma_start3A] : memref<2x10112x128xf32, #tpu.memory_space<hbm>> -> memref<1x632x128xf32, #tpu.memory_space<hbm>>
      %dma_start3A_39 = tpu.memref_squeeze %dma_start3A_38 : memref<1x632x128xf32, #tpu.memory_space<hbm>> -> memref<632x128xf32, #tpu.memory_space<hbm>>
      %dma_start3A_40 = arith.constant 0 : i32
      %dma_start3A_41 = tpu.memref_slice %arg10[%mul3A_2, %dma_start3A_40] : memref<10112x128xf32, #tpu.memory_space<vmem_shared>> -> memref<632x128xf32, #tpu.memory_space<vmem_shared>>
      tpu.enqueue_dma source(%dma_start3A_41 : memref<632x128xf32, #tpu.memory_space<vmem_shared>>) target(%dma_start3A_39 : memref<632x128xf32, #tpu.memory_space<hbm>>) target_semaphore(%run_scoped3A : memref<!tpu.dma_semaphore, #tpu.memory_space<semaphore_mem>>)
      %dma_wait3A = arith.constant 0 : i32
      %dma_wait3A_42 = tpu.memref_slice %arg6[%arg0, %mul3A_2, %dma_wait3A] : memref<2x10112x128xf32, #tpu.memory_space<hbm>> -> memref<1x632x128xf32, #tpu.memory_space<hbm>>
      %dma_wait3A_43 = tpu.memref_squeeze %dma_wait3A_42 : memref<1x632x128xf32, #tpu.memory_space<hbm>> -> memref<632x128xf32, #tpu.memory_space<hbm>>
      %dma_wait3A_44 = arith.constant 0 : i32
      %dma_wait3A_45 = tpu.memref_slice %arg10[%mul3A_2, %dma_wait3A_44] : memref<10112x128xf32, #tpu.memory_space<vmem_shared>> -> memref<632x128xf32, #tpu.memory_space<vmem_shared>>
      tpu.wait_dma2 semaphore(%run_scoped3A : memref<!tpu.dma_semaphore, #tpu.memory_space<semaphore_mem>>) src(%dma_wait3A_45 : memref<632x128xf32, #tpu.memory_space<vmem_shared>>) dst(%dma_wait3A_43 : memref<632x128xf32, #tpu.memory_space<hbm>>)
      tpu.yield
    }) : () -> ()
    %barrier3A_25 = arith.constant 0 : index
    tpu.barrier barrier_id(%barrier3A_25)
    "tpu.region"() ({
      %run_scoped3A = tpu.sem_alloc : memref<!tpu.dma_semaphore, #tpu.memory_space<semaphore_mem>>
      %dma_start3A = arith.constant 0 : i32
      %dma_start3A_38 = tpu.memref_slice %arg10[%mul3A_2, %dma_start3A] : memref<10112x128xf32, #tpu.memory_space<vmem_shared>> -> memref<632x128xf32, #tpu.memory_space<vmem_shared>>
      %dma_start3A_39 = arith.constant 0 : i32
      %dma_start3A_40 = tpu.memref_slice %arg4[%mul3A_2, %dma_start3A_39] : memref<10112x128xf32, #tpu.memory_space<hbm>> -> memref<632x128xf32, #tpu.memory_space<hbm>>
      tpu.enqueue_dma source(%dma_start3A_40 : memref<632x128xf32, #tpu.memory_space<hbm>>) target(%dma_start3A_38 : memref<632x128xf32, #tpu.memory_space<vmem_shared>>) target_semaphore(%run_scoped3A : memref<!tpu.dma_semaphore, #tpu.memory_space<semaphore_mem>>)
      %dma_wait3A = arith.constant 0 : i32
      %dma_wait3A_41 = tpu.memref_slice %arg10[%mul3A_2, %dma_wait3A] : memref<10112x128xf32, #tpu.memory_space<vmem_shared>> -> memref<632x128xf32, #tpu.memory_space<vmem_shared>>
      %dma_wait3A_42 = arith.constant 0 : i32
      %dma_wait3A_43 = tpu.memref_slice %arg4[%mul3A_2, %dma_wait3A_42] : memref<10112x128xf32, #tpu.memory_space<hbm>> -> memref<632x128xf32, #tpu.memory_space<hbm>>
      tpu.wait_dma2 semaphore(%run_scoped3A : memref<!tpu.dma_semaphore, #tpu.memory_space<semaphore_mem>>) src(%dma_wait3A_43 : memref<632x128xf32, #tpu.memory_space<hbm>>) dst(%dma_wait3A_41 : memref<632x128xf32, #tpu.memory_space<vmem_shared>>)
      tpu.yield
    }) : () -> ()
    "tpu.region"() ({
      %run_scoped3A = tpu.sem_alloc : memref<!tpu.dma_semaphore, #tpu.memory_space<semaphore_mem>>
      tpu.enqueue_dma source(%arg5 : memref<128x128xf32, #tpu.memory_space<hbm>>) target(%arg9 : memref<128x128xf32, #tpu.memory_space<vmem>>) target_semaphore(%run_scoped3A : memref<!tpu.dma_semaphore, #tpu.memory_space<semaphore_mem>>)
      tpu.wait_dma2 semaphore(%run_scoped3A : memref<!tpu.dma_semaphore, #tpu.memory_space<semaphore_mem>>) src(%arg5 : memref<128x128xf32, #tpu.memory_space<hbm>>) dst(%arg9 : memref<128x128xf32, #tpu.memory_space<vmem>>)
      tpu.yield
    }) : () -> ()
    %barrier3A_26 = arith.constant 0 : index
    tpu.barrier barrier_id(%barrier3A_26)
    %while3A_27 = arith.constant 0 : i32
    %while3A_28 = arith.constant 0 : i32
    %while3A_29 = arith.subi %select_n3A_14, %while3A_28 : i32
    %while3A_30 = arith.addi %while3A_28, %while3A_29 : i32
    %while3A_31 = arith.constant 1 : i32
    %while3A_32 = arith.divsi %while3A_29, %while3A_31 : i32
    %while3A_33 = arith.muli %while3A_32, %while3A_31 : i32
    %while3A_34 = arith.addi %while3A_28, %while3A_33 : i32
    %while3A_35 = arith.constant 1 : i32
    scf.for %while3A_38 = %while3A_28 to %while3A_34 step %while3A_35  : i32 {
      %add3A_39 = arith.addi %select_n3A, %while3A_38 : i32
      "tpu.region"() ({
        %run_scoped3A_40 = tpu.sem_alloc : memref<!tpu.dma_semaphore, #tpu.memory_space<semaphore_mem>>
        %dma_start3A = arith.constant 0 : i32
        %dma_start3A_41 = arith.constant 0 : i32
        %dma_start3A_42 = tpu.memref_slice %arg3[%add3A_39, %dma_start3A, %dma_start3A_41] : memref<2512x2x128xi32, #tpu.memory_space<hbm>> -> memref<1x2x128xi32, #tpu.memory_space<hbm>>
        %dma_start3A_43 = tpu.memref_squeeze %dma_start3A_42 : memref<1x2x128xi32, #tpu.memory_space<hbm>> -> memref<2x128xi32, #tpu.memory_space<hbm>>
        %dma_start3A_44 = arith.constant 0 : i32
        %dma_start3A_45 = arith.constant 0 : i32
        %dma_start3A_46 = tpu.memref_slice %arg3[%add3A_39, %dma_start3A_44, %dma_start3A_45] : memref<2512x2x128xi32, #tpu.memory_space<hbm>> -> memref<1x2x128xi32, #tpu.memory_space<hbm>>
        %dma_start3A_47 = tpu.memref_squeeze %dma_start3A_46 : memref<1x2x128xi32, #tpu.memory_space<hbm>> -> memref<2x128xi32, #tpu.memory_space<hbm>>
        tpu.enqueue_dma source(%dma_start3A_47 : memref<2x128xi32, #tpu.memory_space<hbm>>) target(%arg8 : memref<2x128xi32, #tpu.memory_space<vmem>>) target_semaphore(%run_scoped3A_40 : memref<!tpu.dma_semaphore, #tpu.memory_space<semaphore_mem>>)
        %dma_wait3A = arith.constant 0 : i32
        %dma_wait3A_48 = arith.constant 0 : i32
        %dma_wait3A_49 = tpu.memref_slice %arg3[%add3A_39, %dma_wait3A, %dma_wait3A_48] : memref<2512x2x128xi32, #tpu.memory_space<hbm>> -> memref<1x2x128xi32, #tpu.memory_space<hbm>>
        %dma_wait3A_50 = tpu.memref_squeeze %dma_wait3A_49 : memref<1x2x128xi32, #tpu.memory_space<hbm>> -> memref<2x128xi32, #tpu.memory_space<hbm>>
        %dma_wait3A_51 = arith.constant 0 : i32
        %dma_wait3A_52 = arith.constant 0 : i32
        %dma_wait3A_53 = tpu.memref_slice %arg3[%add3A_39, %dma_wait3A_51, %dma_wait3A_52] : memref<2512x2x128xi32, #tpu.memory_space<hbm>> -> memref<1x2x128xi32, #tpu.memory_space<hbm>>
        %dma_wait3A_54 = tpu.memref_squeeze %dma_wait3A_53 : memref<1x2x128xi32, #tpu.memory_space<hbm>> -> memref<2x128xi32, #tpu.memory_space<hbm>>
        tpu.wait_dma2 semaphore(%run_scoped3A_40 : memref<!tpu.dma_semaphore, #tpu.memory_space<semaphore_mem>>) src(%dma_wait3A_54 : memref<2x128xi32, #tpu.memory_space<hbm>>) dst(%arg8 : memref<2x128xi32, #tpu.memory_space<vmem>>)
        tpu.yield
      }) : () -> ()
      %run_scoped3A = arith.constant 1 : i32
      "tpu.region"() ({
        %run_scoped3A_40 = tpu.sem_alloc : memref<!tpu.dma_semaphore, #tpu.memory_space<semaphore_mem>>
        %dma_start3A = arith.constant 0 : i32
        %dma_start3A_41 = tpu.memref_slice %arg8[%run_scoped3A, %dma_start3A] : memref<2x128xi32, #tpu.memory_space<vmem>> -> memref<1x128xi32, #tpu.memory_space<vmem>>
        %dma_start3A_42 = tpu.memref_squeeze %dma_start3A_41 : memref<1x128xi32, #tpu.memory_space<vmem>> -> memref<128xi32, #tpu.memory_space<vmem>>
        %dma_start3A_43 = arith.constant 0 : i32
        %dma_start3A_44 = arith.constant 0 : i32
        %dma_start3A_45 = tpu.memref_slice %arg10[%dma_start3A_43, %dma_start3A_44] : memref<10112x128xf32, #tpu.memory_space<vmem_shared>> -> memref<10112x128xf32, #tpu.memory_space<vmem_shared>>
        tpu.enqueue_indirect_dma source(%arg9 : memref<128x128xf32, #tpu.memory_space<vmem>>) target(%dma_start3A_45 : memref<10112x128xf32, #tpu.memory_space<vmem_shared>>) offsets(%dma_start3A_42 : memref<128xi32, #tpu.memory_space<vmem>>) semaphore(%run_scoped3A_40 : memref<!tpu.dma_semaphore, #tpu.memory_space<semaphore_mem>>) {add = true}
        %dma_wait3A = arith.constant 0 : i32
        %dma_wait3A_46 = tpu.memref_slice %arg8[%run_scoped3A, %dma_wait3A] : memref<2x128xi32, #tpu.memory_space<vmem>> -> memref<1x128xi32, #tpu.memory_space<vmem>>
        %dma_wait3A_47 = tpu.memref_squeeze %dma_wait3A_46 : memref<1x128xi32, #tpu.memory_space<vmem>> -> memref<128xi32, #tpu.memory_space<vmem>>
        %dma_wait3A_48 = arith.constant 0 : i32
        %dma_wait3A_49 = arith.constant 0 : i32
        %dma_wait3A_50 = tpu.memref_slice %arg10[%dma_wait3A_48, %dma_wait3A_49] : memref<10112x128xf32, #tpu.memory_space<vmem_shared>> -> memref<10112x128xf32, #tpu.memory_space<vmem_shared>>
        tpu.wait_indirect_dma semaphore(%run_scoped3A_40 : memref<!tpu.dma_semaphore, #tpu.memory_space<semaphore_mem>>) src(%arg9 : memref<128x128xf32, #tpu.memory_space<vmem>>) dst(%dma_wait3A_50 : memref<10112x128xf32, #tpu.memory_space<vmem_shared>>)
        tpu.yield
      }) : () -> ()
    }
    %while3A_36 = arith.constant 1 : i32
    scf.for %while3A_38 = %while3A_34 to %while3A_30 step %while3A_36  : i32 {
      %add3A_39 = arith.addi %select_n3A, %while3A_38 : i32
      "tpu.region"() ({
        %run_scoped3A_40 = tpu.sem_alloc : memref<!tpu.dma_semaphore, #tpu.memory_space<semaphore_mem>>
        %dma_start3A = arith.constant 0 : i32
        %dma_start3A_41 = arith.constant 0 : i32
        %dma_start3A_42 = tpu.memref_slice %arg3[%add3A_39, %dma_start3A, %dma_start3A_41] : memref<2512x2x128xi32, #tpu.memory_space<hbm>> -> memref<1x2x128xi32, #tpu.memory_space<hbm>>
        %dma_start3A_43 = tpu.memref_squeeze %dma_start3A_42 : memref<1x2x128xi32, #tpu.memory_space<hbm>> -> memref<2x128xi32, #tpu.memory_space<hbm>>
        %dma_start3A_44 = arith.constant 0 : i32
        %dma_start3A_45 = arith.constant 0 : i32
        %dma_start3A_46 = tpu.memref_slice %arg3[%add3A_39, %dma_start3A_44, %dma_start3A_45] : memref<2512x2x128xi32, #tpu.memory_space<hbm>> -> memref<1x2x128xi32, #tpu.memory_space<hbm>>
        %dma_start3A_47 = tpu.memref_squeeze %dma_start3A_46 : memref<1x2x128xi32, #tpu.memory_space<hbm>> -> memref<2x128xi32, #tpu.memory_space<hbm>>
        tpu.enqueue_dma source(%dma_start3A_47 : memref<2x128xi32, #tpu.memory_space<hbm>>) target(%arg8 : memref<2x128xi32, #tpu.memory_space<vmem>>) target_semaphore(%run_scoped3A_40 : memref<!tpu.dma_semaphore, #tpu.memory_space<semaphore_mem>>)
        %dma_wait3A = arith.constant 0 : i32
        %dma_wait3A_48 = arith.constant 0 : i32
        %dma_wait3A_49 = tpu.memref_slice %arg3[%add3A_39, %dma_wait3A, %dma_wait3A_48] : memref<2512x2x128xi32, #tpu.memory_space<hbm>> -> memref<1x2x128xi32, #tpu.memory_space<hbm>>
        %dma_wait3A_50 = tpu.memref_squeeze %dma_wait3A_49 : memref<1x2x128xi32, #tpu.memory_space<hbm>> -> memref<2x128xi32, #tpu.memory_space<hbm>>
        %dma_wait3A_51 = arith.constant 0 : i32
        %dma_wait3A_52 = arith.constant 0 : i32
        %dma_wait3A_53 = tpu.memref_slice %arg3[%add3A_39, %dma_wait3A_51, %dma_wait3A_52] : memref<2512x2x128xi32, #tpu.memory_space<hbm>> -> memref<1x2x128xi32, #tpu.memory_space<hbm>>
        %dma_wait3A_54 = tpu.memref_squeeze %dma_wait3A_53 : memref<1x2x128xi32, #tpu.memory_space<hbm>> -> memref<2x128xi32, #tpu.memory_space<hbm>>
        tpu.wait_dma2 semaphore(%run_scoped3A_40 : memref<!tpu.dma_semaphore, #tpu.memory_space<semaphore_mem>>) src(%dma_wait3A_54 : memref<2x128xi32, #tpu.memory_space<hbm>>) dst(%arg8 : memref<2x128xi32, #tpu.memory_space<vmem>>)
        tpu.yield
      }) : () -> ()
      %run_scoped3A = arith.constant 1 : i32
      "tpu.region"() ({
        %run_scoped3A_40 = tpu.sem_alloc : memref<!tpu.dma_semaphore, #tpu.memory_space<semaphore_mem>>
        %dma_start3A = arith.constant 0 : i32
        %dma_start3A_41 = tpu.memref_slice %arg8[%run_scoped3A, %dma_start3A] : memref<2x128xi32, #tpu.memory_space<vmem>> -> memref<1x128xi32, #tpu.memory_space<vmem>>
        %dma_start3A_42 = tpu.memref_squeeze %dma_start3A_41 : memref<1x128xi32, #tpu.memory_space<vmem>> -> memref<128xi32, #tpu.memory_space<vmem>>
        %dma_start3A_43 = arith.constant 0 : i32
        %dma_start3A_44 = arith.constant 0 : i32
        %dma_start3A_45 = tpu.memref_slice %arg10[%dma_start3A_43, %dma_start3A_44] : memref<10112x128xf32, #tpu.memory_space<vmem_shared>> -> memref<10112x128xf32, #tpu.memory_space<vmem_shared>>
        tpu.enqueue_indirect_dma source(%arg9 : memref<128x128xf32, #tpu.memory_space<vmem>>) target(%dma_start3A_45 : memref<10112x128xf32, #tpu.memory_space<vmem_shared>>) offsets(%dma_start3A_42 : memref<128xi32, #tpu.memory_space<vmem>>) semaphore(%run_scoped3A_40 : memref<!tpu.dma_semaphore, #tpu.memory_space<semaphore_mem>>) {add = true}
        %dma_wait3A = arith.constant 0 : i32
        %dma_wait3A_46 = tpu.memref_slice %arg8[%run_scoped3A, %dma_wait3A] : memref<2x128xi32, #tpu.memory_space<vmem>> -> memref<1x128xi32, #tpu.memory_space<vmem>>
        %dma_wait3A_47 = tpu.memref_squeeze %dma_wait3A_46 : memref<1x128xi32, #tpu.memory_space<vmem>> -> memref<128xi32, #tpu.memory_space<vmem>>
        %dma_wait3A_48 = arith.constant 0 : i32
        %dma_wait3A_49 = arith.constant 0 : i32
        %dma_wait3A_50 = tpu.memref_slice %arg10[%dma_wait3A_48, %dma_wait3A_49] : memref<10112x128xf32, #tpu.memory_space<vmem_shared>> -> memref<10112x128xf32, #tpu.memory_space<vmem_shared>>
        tpu.wait_indirect_dma semaphore(%run_scoped3A_40 : memref<!tpu.dma_semaphore, #tpu.memory_space<semaphore_mem>>) src(%arg9 : memref<128x128xf32, #tpu.memory_space<vmem>>) dst(%dma_wait3A_50 : memref<10112x128xf32, #tpu.memory_space<vmem_shared>>)
        tpu.yield
      }) : () -> ()
    }
    %barrier3A_37 = arith.constant 0 : index
    tpu.barrier barrier_id(%barrier3A_37)
    "tpu.region"() ({
      %run_scoped3A = tpu.sem_alloc : memref<!tpu.dma_semaphore, #tpu.memory_space<semaphore_mem>>
      %dma_start3A = arith.constant 0 : i32
      %dma_start3A_38 = tpu.memref_slice %arg7[%arg0, %mul3A_2, %dma_start3A] : memref<2x10112x128xf32, #tpu.memory_space<hbm>> -> memref<1x632x128xf32, #tpu.memory_space<hbm>>
      %dma_start3A_39 = tpu.memref_squeeze %dma_start3A_38 : memref<1x632x128xf32, #tpu.memory_space<hbm>> -> memref<632x128xf32, #tpu.memory_space<hbm>>
      %dma_start3A_40 = arith.constant 0 : i32
      %dma_start3A_41 = tpu.memref_slice %arg10[%mul3A_2, %dma_start3A_40] : memref<10112x128xf32, #tpu.memory_space<vmem_shared>> -> memref<632x128xf32, #tpu.memory_space<vmem_shared>>
      tpu.enqueue_dma source(%dma_start3A_41 : memref<632x128xf32, #tpu.memory_space<vmem_shared>>) target(%dma_start3A_39 : memref<632x128xf32, #tpu.memory_space<hbm>>) target_semaphore(%run_scoped3A : memref<!tpu.dma_semaphore, #tpu.memory_space<semaphore_mem>>)
      %dma_wait3A = arith.constant 0 : i32
      %dma_wait3A_42 = tpu.memref_slice %arg7[%arg0, %mul3A_2, %dma_wait3A] : memref<2x10112x128xf32, #tpu.memory_space<hbm>> -> memref<1x632x128xf32, #tpu.memory_space<hbm>>
      %dma_wait3A_43 = tpu.memref_squeeze %dma_wait3A_42 : memref<1x632x128xf32, #tpu.memory_space<hbm>> -> memref<632x128xf32, #tpu.memory_space<hbm>>
      %dma_wait3A_44 = arith.constant 0 : i32
      %dma_wait3A_45 = tpu.memref_slice %arg10[%mul3A_2, %dma_wait3A_44] : memref<10112x128xf32, #tpu.memory_space<vmem_shared>> -> memref<632x128xf32, #tpu.memory_space<vmem_shared>>
      tpu.wait_dma2 semaphore(%run_scoped3A : memref<!tpu.dma_semaphore, #tpu.memory_space<semaphore_mem>>) src(%dma_wait3A_45 : memref<632x128xf32, #tpu.memory_space<vmem_shared>>) dst(%dma_wait3A_43 : memref<632x128xf32, #tpu.memory_space<hbm>>)
      tpu.yield
    }) : () -> ()
    return
  }
}

#map = affine_map<(d0, d1) -> (0, 0)>
#map1 = affine_map<(d0, d1) -> (0, 0, 0)>
module attributes {stable_mosaic.version = 14 : i64} {
  func.func @_edge_body1(%arg0: i32, %arg1: i32, %arg2: memref<10000x128xf32, #tpu.memory_space<hbm>>, %arg3: memref<2512x2x128xi32, #tpu.memory_space<hbm>>, %arg4: memref<10112x128xf32, #tpu.memory_space<hbm>>, %arg5: memref<128x128xf32, #tpu.memory_space<hbm>>, %arg6: memref<2x10112x128xf32, #tpu.memory_space<hbm>>, %arg7: memref<2x128xi32, #tpu.memory_space<vmem>>, %arg8: memref<128x128xf32, #tpu.memory_space<vmem>>, %arg9: memref<10112x128xf32, #tpu.memory_space<vmem_shared>>, %arg10: memref<!tpu.dma_semaphore, #tpu.memory_space<semaphore_mem>>) attributes {dimension_semantics = [#tpu.dimension_semantics<core_parallel>, #tpu.dimension_semantics<subcore_parallel>], iteration_bounds = array<i64: 2, 16>, scalar_prefetch = 0 : i64, scratch_operands = 4 : i64, tpu.core_type = #tpu.core_type<sc_vector_subcore>, window_params = [{transform_indices = #map}, {transform_indices = #map1}, {transform_indices = #map}, {transform_indices = #map}, {transform_indices = #map1}]} {
    %mul3A = arith.constant 16 : i32
    %mul3A_0 = arith.muli %arg0, %mul3A : i32
    %add3A = arith.addi %mul3A_0, %arg1 : i32
    %mul3A_1 = arith.constant 632 : i32
    %mul3A_2 = arith.muli %arg1, %mul3A_1 : i32
    %eq3A = arith.constant 0 : i32
    %eq3A_3 = arith.cmpi eq, %arg0, %eq3A : i32
    %mul3A_4 = arith.constant 90 : i32
    %mul3A_5 = arith.muli %arg1, %mul3A_4 : i32
    %mul3A_6 = arith.constant 67 : i32
    %mul3A_7 = arith.muli %arg1, %mul3A_6 : i32
    %add3A_8 = arith.constant 1440 : i32
    %add3A_9 = arith.addi %add3A_8, %mul3A_7 : i32
    %select_n3A = arith.select %eq3A_3, %mul3A_5, %add3A_9 : i32
    %eq3A_10 = arith.constant 0 : i32
    %eq3A_11 = arith.cmpi eq, %arg0, %eq3A_10 : i32
    %select_n3A_12 = arith.constant 67 : i32
    %select_n3A_13 = arith.constant 90 : i32
    %select_n3A_14 = arith.select %eq3A_11, %select_n3A_13, %select_n3A_12 : i32
    "tpu.region"() ({
      %run_scoped3A = tpu.sem_alloc : memref<!tpu.dma_semaphore, #tpu.memory_space<semaphore_mem>>
      %dma_start3A = arith.constant 0 : i32
      %dma_start3A_25 = tpu.memref_slice %arg9[%mul3A_2, %dma_start3A] : memref<10112x128xf32, #tpu.memory_space<vmem_shared>> -> memref<632x128xf32, #tpu.memory_space<vmem_shared>>
      %dma_start3A_26 = arith.constant 0 : i32
      %dma_start3A_27 = tpu.memref_slice %arg4[%mul3A_2, %dma_start3A_26] : memref<10112x128xf32, #tpu.memory_space<hbm>> -> memref<632x128xf32, #tpu.memory_space<hbm>>
      tpu.enqueue_dma source(%dma_start3A_27 : memref<632x128xf32, #tpu.memory_space<hbm>>) target(%dma_start3A_25 : memref<632x128xf32, #tpu.memory_space<vmem_shared>>) target_semaphore(%run_scoped3A : memref<!tpu.dma_semaphore, #tpu.memory_space<semaphore_mem>>)
      %dma_wait3A = arith.constant 0 : i32
      %dma_wait3A_28 = tpu.memref_slice %arg9[%mul3A_2, %dma_wait3A] : memref<10112x128xf32, #tpu.memory_space<vmem_shared>> -> memref<632x128xf32, #tpu.memory_space<vmem_shared>>
      %dma_wait3A_29 = arith.constant 0 : i32
      %dma_wait3A_30 = tpu.memref_slice %arg4[%mul3A_2, %dma_wait3A_29] : memref<10112x128xf32, #tpu.memory_space<hbm>> -> memref<632x128xf32, #tpu.memory_space<hbm>>
      tpu.wait_dma2 semaphore(%run_scoped3A : memref<!tpu.dma_semaphore, #tpu.memory_space<semaphore_mem>>) src(%dma_wait3A_30 : memref<632x128xf32, #tpu.memory_space<hbm>>) dst(%dma_wait3A_28 : memref<632x128xf32, #tpu.memory_space<vmem_shared>>)
      tpu.yield
    }) : () -> ()
    %barrier3A = arith.constant 0 : index
    tpu.barrier barrier_id(%barrier3A)
    %while3A = arith.constant 0 : i32
    %while3A_15 = arith.constant 0 : i32
    %while3A_16 = arith.subi %select_n3A_14, %while3A_15 : i32
    %while3A_17 = arith.addi %while3A_15, %while3A_16 : i32
    %while3A_18 = arith.constant 1 : i32
    %while3A_19 = arith.divsi %while3A_16, %while3A_18 : i32
    %while3A_20 = arith.muli %while3A_19, %while3A_18 : i32
    %while3A_21 = arith.addi %while3A_15, %while3A_20 : i32
    %while3A_22 = arith.constant 1 : i32
    scf.for %while3A_25 = %while3A_15 to %while3A_21 step %while3A_22  : i32 {
      %add3A_26 = arith.addi %select_n3A, %while3A_25 : i32
      "tpu.region"() ({
        %run_scoped3A_39 = tpu.sem_alloc : memref<!tpu.dma_semaphore, #tpu.memory_space<semaphore_mem>>
        %dma_start3A_40 = arith.constant 0 : i32
        %dma_start3A_41 = arith.constant 0 : i32
        %dma_start3A_42 = tpu.memref_slice %arg3[%add3A_26, %dma_start3A_40, %dma_start3A_41] : memref<2512x2x128xi32, #tpu.memory_space<hbm>> -> memref<1x2x128xi32, #tpu.memory_space<hbm>>
        %dma_start3A_43 = tpu.memref_squeeze %dma_start3A_42 : memref<1x2x128xi32, #tpu.memory_space<hbm>> -> memref<2x128xi32, #tpu.memory_space<hbm>>
        %dma_start3A_44 = arith.constant 0 : i32
        %dma_start3A_45 = arith.constant 0 : i32
        %dma_start3A_46 = tpu.memref_slice %arg3[%add3A_26, %dma_start3A_44, %dma_start3A_45] : memref<2512x2x128xi32, #tpu.memory_space<hbm>> -> memref<1x2x128xi32, #tpu.memory_space<hbm>>
        %dma_start3A_47 = tpu.memref_squeeze %dma_start3A_46 : memref<1x2x128xi32, #tpu.memory_space<hbm>> -> memref<2x128xi32, #tpu.memory_space<hbm>>
        tpu.enqueue_dma source(%dma_start3A_47 : memref<2x128xi32, #tpu.memory_space<hbm>>) target(%arg7 : memref<2x128xi32, #tpu.memory_space<vmem>>) target_semaphore(%run_scoped3A_39 : memref<!tpu.dma_semaphore, #tpu.memory_space<semaphore_mem>>)
        %dma_wait3A_48 = arith.constant 0 : i32
        %dma_wait3A_49 = arith.constant 0 : i32
        %dma_wait3A_50 = tpu.memref_slice %arg3[%add3A_26, %dma_wait3A_48, %dma_wait3A_49] : memref<2512x2x128xi32, #tpu.memory_space<hbm>> -> memref<1x2x128xi32, #tpu.memory_space<hbm>>
        %dma_wait3A_51 = tpu.memref_squeeze %dma_wait3A_50 : memref<1x2x128xi32, #tpu.memory_space<hbm>> -> memref<2x128xi32, #tpu.memory_space<hbm>>
        %dma_wait3A_52 = arith.constant 0 : i32
        %dma_wait3A_53 = arith.constant 0 : i32
        %dma_wait3A_54 = tpu.memref_slice %arg3[%add3A_26, %dma_wait3A_52, %dma_wait3A_53] : memref<2512x2x128xi32, #tpu.memory_space<hbm>> -> memref<1x2x128xi32, #tpu.memory_space<hbm>>
        %dma_wait3A_55 = tpu.memref_squeeze %dma_wait3A_54 : memref<1x2x128xi32, #tpu.memory_space<hbm>> -> memref<2x128xi32, #tpu.memory_space<hbm>>
        tpu.wait_dma2 semaphore(%run_scoped3A_39 : memref<!tpu.dma_semaphore, #tpu.memory_space<semaphore_mem>>) src(%dma_wait3A_55 : memref<2x128xi32, #tpu.memory_space<hbm>>) dst(%arg7 : memref<2x128xi32, #tpu.memory_space<vmem>>)
        tpu.yield
      }) : () -> ()
      %dma_start3A = arith.constant 0 : i32
      %dma_start3A_27 = arith.constant 0 : i32
      %dma_start3A_28 = tpu.memref_slice %arg7[%dma_start3A, %dma_start3A_27] : memref<2x128xi32, #tpu.memory_space<vmem>> -> memref<1x128xi32, #tpu.memory_space<vmem>>
      %dma_start3A_29 = tpu.memref_squeeze %dma_start3A_28 : memref<1x128xi32, #tpu.memory_space<vmem>> -> memref<128xi32, #tpu.memory_space<vmem>>
      %dma_start3A_30 = arith.constant 0 : i32
      %dma_start3A_31 = arith.constant 0 : i32
      %dma_start3A_32 = tpu.memref_slice %arg2[%dma_start3A_30, %dma_start3A_31] : memref<10000x128xf32, #tpu.memory_space<hbm>> -> memref<10000x128xf32, #tpu.memory_space<hbm>>
      tpu.enqueue_indirect_dma source(%dma_start3A_32 : memref<10000x128xf32, #tpu.memory_space<hbm>>) target(%arg8 : memref<128x128xf32, #tpu.memory_space<vmem>>) offsets(%dma_start3A_29 : memref<128xi32, #tpu.memory_space<vmem>>) semaphore(%arg10 : memref<!tpu.dma_semaphore, #tpu.memory_space<semaphore_mem>>)
      %dma_wait3A = arith.constant 0 : i32
      %dma_wait3A_33 = arith.constant 0 : i32
      %dma_wait3A_34 = tpu.memref_slice %arg7[%dma_wait3A, %dma_wait3A_33] : memref<2x128xi32, #tpu.memory_space<vmem>> -> memref<1x128xi32, #tpu.memory_space<vmem>>
      %dma_wait3A_35 = tpu.memref_squeeze %dma_wait3A_34 : memref<1x128xi32, #tpu.memory_space<vmem>> -> memref<128xi32, #tpu.memory_space<vmem>>
      %dma_wait3A_36 = arith.constant 0 : i32
      %dma_wait3A_37 = arith.constant 0 : i32
      %dma_wait3A_38 = tpu.memref_slice %arg2[%dma_wait3A_36, %dma_wait3A_37] : memref<10000x128xf32, #tpu.memory_space<hbm>> -> memref<10000x128xf32, #tpu.memory_space<hbm>>
      tpu.wait_indirect_dma semaphore(%arg10 : memref<!tpu.dma_semaphore, #tpu.memory_space<semaphore_mem>>) src(%dma_wait3A_38 : memref<10000x128xf32, #tpu.memory_space<hbm>>) dst(%arg8 : memref<128x128xf32, #tpu.memory_space<vmem>>)
      %run_scoped3A = arith.constant 1 : i32
      "tpu.region"() ({
        %run_scoped3A_39 = tpu.sem_alloc : memref<!tpu.dma_semaphore, #tpu.memory_space<semaphore_mem>>
        %dma_start3A_40 = arith.constant 0 : i32
        %dma_start3A_41 = tpu.memref_slice %arg7[%run_scoped3A, %dma_start3A_40] : memref<2x128xi32, #tpu.memory_space<vmem>> -> memref<1x128xi32, #tpu.memory_space<vmem>>
        %dma_start3A_42 = tpu.memref_squeeze %dma_start3A_41 : memref<1x128xi32, #tpu.memory_space<vmem>> -> memref<128xi32, #tpu.memory_space<vmem>>
        %dma_start3A_43 = arith.constant 0 : i32
        %dma_start3A_44 = arith.constant 0 : i32
        %dma_start3A_45 = tpu.memref_slice %arg9[%dma_start3A_43, %dma_start3A_44] : memref<10112x128xf32, #tpu.memory_space<vmem_shared>> -> memref<10112x128xf32, #tpu.memory_space<vmem_shared>>
        tpu.enqueue_indirect_dma source(%arg8 : memref<128x128xf32, #tpu.memory_space<vmem>>) target(%dma_start3A_45 : memref<10112x128xf32, #tpu.memory_space<vmem_shared>>) offsets(%dma_start3A_42 : memref<128xi32, #tpu.memory_space<vmem>>) semaphore(%run_scoped3A_39 : memref<!tpu.dma_semaphore, #tpu.memory_space<semaphore_mem>>) {add = true}
        %dma_wait3A_46 = arith.constant 0 : i32
        %dma_wait3A_47 = tpu.memref_slice %arg7[%run_scoped3A, %dma_wait3A_46] : memref<2x128xi32, #tpu.memory_space<vmem>> -> memref<1x128xi32, #tpu.memory_space<vmem>>
        %dma_wait3A_48 = tpu.memref_squeeze %dma_wait3A_47 : memref<1x128xi32, #tpu.memory_space<vmem>> -> memref<128xi32, #tpu.memory_space<vmem>>
        %dma_wait3A_49 = arith.constant 0 : i32
        %dma_wait3A_50 = arith.constant 0 : i32
        %dma_wait3A_51 = tpu.memref_slice %arg9[%dma_wait3A_49, %dma_wait3A_50] : memref<10112x128xf32, #tpu.memory_space<vmem_shared>> -> memref<10112x128xf32, #tpu.memory_space<vmem_shared>>
        tpu.wait_indirect_dma semaphore(%run_scoped3A_39 : memref<!tpu.dma_semaphore, #tpu.memory_space<semaphore_mem>>) src(%arg8 : memref<128x128xf32, #tpu.memory_space<vmem>>) dst(%dma_wait3A_51 : memref<10112x128xf32, #tpu.memory_space<vmem_shared>>)
        tpu.yield
      }) : () -> ()
    }
    %while3A_23 = arith.constant 1 : i32
    scf.for %while3A_25 = %while3A_21 to %while3A_17 step %while3A_23  : i32 {
      %add3A_26 = arith.addi %select_n3A, %while3A_25 : i32
      "tpu.region"() ({
        %run_scoped3A_39 = tpu.sem_alloc : memref<!tpu.dma_semaphore, #tpu.memory_space<semaphore_mem>>
        %dma_start3A_40 = arith.constant 0 : i32
        %dma_start3A_41 = arith.constant 0 : i32
        %dma_start3A_42 = tpu.memref_slice %arg3[%add3A_26, %dma_start3A_40, %dma_start3A_41] : memref<2512x2x128xi32, #tpu.memory_space<hbm>> -> memref<1x2x128xi32, #tpu.memory_space<hbm>>
        %dma_start3A_43 = tpu.memref_squeeze %dma_start3A_42 : memref<1x2x128xi32, #tpu.memory_space<hbm>> -> memref<2x128xi32, #tpu.memory_space<hbm>>
        %dma_start3A_44 = arith.constant 0 : i32
        %dma_start3A_45 = arith.constant 0 : i32
        %dma_start3A_46 = tpu.memref_slice %arg3[%add3A_26, %dma_start3A_44, %dma_start3A_45] : memref<2512x2x128xi32, #tpu.memory_space<hbm>> -> memref<1x2x128xi32, #tpu.memory_space<hbm>>
        %dma_start3A_47 = tpu.memref_squeeze %dma_start3A_46 : memref<1x2x128xi32, #tpu.memory_space<hbm>> -> memref<2x128xi32, #tpu.memory_space<hbm>>
        tpu.enqueue_dma source(%dma_start3A_47 : memref<2x128xi32, #tpu.memory_space<hbm>>) target(%arg7 : memref<2x128xi32, #tpu.memory_space<vmem>>) target_semaphore(%run_scoped3A_39 : memref<!tpu.dma_semaphore, #tpu.memory_space<semaphore_mem>>)
        %dma_wait3A_48 = arith.constant 0 : i32
        %dma_wait3A_49 = arith.constant 0 : i32
        %dma_wait3A_50 = tpu.memref_slice %arg3[%add3A_26, %dma_wait3A_48, %dma_wait3A_49] : memref<2512x2x128xi32, #tpu.memory_space<hbm>> -> memref<1x2x128xi32, #tpu.memory_space<hbm>>
        %dma_wait3A_51 = tpu.memref_squeeze %dma_wait3A_50 : memref<1x2x128xi32, #tpu.memory_space<hbm>> -> memref<2x128xi32, #tpu.memory_space<hbm>>
        %dma_wait3A_52 = arith.constant 0 : i32
        %dma_wait3A_53 = arith.constant 0 : i32
        %dma_wait3A_54 = tpu.memref_slice %arg3[%add3A_26, %dma_wait3A_52, %dma_wait3A_53] : memref<2512x2x128xi32, #tpu.memory_space<hbm>> -> memref<1x2x128xi32, #tpu.memory_space<hbm>>
        %dma_wait3A_55 = tpu.memref_squeeze %dma_wait3A_54 : memref<1x2x128xi32, #tpu.memory_space<hbm>> -> memref<2x128xi32, #tpu.memory_space<hbm>>
        tpu.wait_dma2 semaphore(%run_scoped3A_39 : memref<!tpu.dma_semaphore, #tpu.memory_space<semaphore_mem>>) src(%dma_wait3A_55 : memref<2x128xi32, #tpu.memory_space<hbm>>) dst(%arg7 : memref<2x128xi32, #tpu.memory_space<vmem>>)
        tpu.yield
      }) : () -> ()
      %dma_start3A = arith.constant 0 : i32
      %dma_start3A_27 = arith.constant 0 : i32
      %dma_start3A_28 = tpu.memref_slice %arg7[%dma_start3A, %dma_start3A_27] : memref<2x128xi32, #tpu.memory_space<vmem>> -> memref<1x128xi32, #tpu.memory_space<vmem>>
      %dma_start3A_29 = tpu.memref_squeeze %dma_start3A_28 : memref<1x128xi32, #tpu.memory_space<vmem>> -> memref<128xi32, #tpu.memory_space<vmem>>
      %dma_start3A_30 = arith.constant 0 : i32
      %dma_start3A_31 = arith.constant 0 : i32
      %dma_start3A_32 = tpu.memref_slice %arg2[%dma_start3A_30, %dma_start3A_31] : memref<10000x128xf32, #tpu.memory_space<hbm>> -> memref<10000x128xf32, #tpu.memory_space<hbm>>
      tpu.enqueue_indirect_dma source(%dma_start3A_32 : memref<10000x128xf32, #tpu.memory_space<hbm>>) target(%arg8 : memref<128x128xf32, #tpu.memory_space<vmem>>) offsets(%dma_start3A_29 : memref<128xi32, #tpu.memory_space<vmem>>) semaphore(%arg10 : memref<!tpu.dma_semaphore, #tpu.memory_space<semaphore_mem>>)
      %dma_wait3A = arith.constant 0 : i32
      %dma_wait3A_33 = arith.constant 0 : i32
      %dma_wait3A_34 = tpu.memref_slice %arg7[%dma_wait3A, %dma_wait3A_33] : memref<2x128xi32, #tpu.memory_space<vmem>> -> memref<1x128xi32, #tpu.memory_space<vmem>>
      %dma_wait3A_35 = tpu.memref_squeeze %dma_wait3A_34 : memref<1x128xi32, #tpu.memory_space<vmem>> -> memref<128xi32, #tpu.memory_space<vmem>>
      %dma_wait3A_36 = arith.constant 0 : i32
      %dma_wait3A_37 = arith.constant 0 : i32
      %dma_wait3A_38 = tpu.memref_slice %arg2[%dma_wait3A_36, %dma_wait3A_37] : memref<10000x128xf32, #tpu.memory_space<hbm>> -> memref<10000x128xf32, #tpu.memory_space<hbm>>
      tpu.wait_indirect_dma semaphore(%arg10 : memref<!tpu.dma_semaphore, #tpu.memory_space<semaphore_mem>>) src(%dma_wait3A_38 : memref<10000x128xf32, #tpu.memory_space<hbm>>) dst(%arg8 : memref<128x128xf32, #tpu.memory_space<vmem>>)
      %run_scoped3A = arith.constant 1 : i32
      "tpu.region"() ({
        %run_scoped3A_39 = tpu.sem_alloc : memref<!tpu.dma_semaphore, #tpu.memory_space<semaphore_mem>>
        %dma_start3A_40 = arith.constant 0 : i32
        %dma_start3A_41 = tpu.memref_slice %arg7[%run_scoped3A, %dma_start3A_40] : memref<2x128xi32, #tpu.memory_space<vmem>> -> memref<1x128xi32, #tpu.memory_space<vmem>>
        %dma_start3A_42 = tpu.memref_squeeze %dma_start3A_41 : memref<1x128xi32, #tpu.memory_space<vmem>> -> memref<128xi32, #tpu.memory_space<vmem>>
        %dma_start3A_43 = arith.constant 0 : i32
        %dma_start3A_44 = arith.constant 0 : i32
        %dma_start3A_45 = tpu.memref_slice %arg9[%dma_start3A_43, %dma_start3A_44] : memref<10112x128xf32, #tpu.memory_space<vmem_shared>> -> memref<10112x128xf32, #tpu.memory_space<vmem_shared>>
        tpu.enqueue_indirect_dma source(%arg8 : memref<128x128xf32, #tpu.memory_space<vmem>>) target(%dma_start3A_45 : memref<10112x128xf32, #tpu.memory_space<vmem_shared>>) offsets(%dma_start3A_42 : memref<128xi32, #tpu.memory_space<vmem>>) semaphore(%run_scoped3A_39 : memref<!tpu.dma_semaphore, #tpu.memory_space<semaphore_mem>>) {add = true}
        %dma_wait3A_46 = arith.constant 0 : i32
        %dma_wait3A_47 = tpu.memref_slice %arg7[%run_scoped3A, %dma_wait3A_46] : memref<2x128xi32, #tpu.memory_space<vmem>> -> memref<1x128xi32, #tpu.memory_space<vmem>>
        %dma_wait3A_48 = tpu.memref_squeeze %dma_wait3A_47 : memref<1x128xi32, #tpu.memory_space<vmem>> -> memref<128xi32, #tpu.memory_space<vmem>>
        %dma_wait3A_49 = arith.constant 0 : i32
        %dma_wait3A_50 = arith.constant 0 : i32
        %dma_wait3A_51 = tpu.memref_slice %arg9[%dma_wait3A_49, %dma_wait3A_50] : memref<10112x128xf32, #tpu.memory_space<vmem_shared>> -> memref<10112x128xf32, #tpu.memory_space<vmem_shared>>
        tpu.wait_indirect_dma semaphore(%run_scoped3A_39 : memref<!tpu.dma_semaphore, #tpu.memory_space<semaphore_mem>>) src(%arg8 : memref<128x128xf32, #tpu.memory_space<vmem>>) dst(%dma_wait3A_51 : memref<10112x128xf32, #tpu.memory_space<vmem_shared>>)
        tpu.yield
      }) : () -> ()
    }
    %barrier3A_24 = arith.constant 0 : index
    tpu.barrier barrier_id(%barrier3A_24)
    "tpu.region"() ({
      %run_scoped3A = tpu.sem_alloc : memref<!tpu.dma_semaphore, #tpu.memory_space<semaphore_mem>>
      %dma_start3A = arith.constant 0 : i32
      %dma_start3A_25 = tpu.memref_slice %arg6[%arg0, %mul3A_2, %dma_start3A] : memref<2x10112x128xf32, #tpu.memory_space<hbm>> -> memref<1x632x128xf32, #tpu.memory_space<hbm>>
      %dma_start3A_26 = tpu.memref_squeeze %dma_start3A_25 : memref<1x632x128xf32, #tpu.memory_space<hbm>> -> memref<632x128xf32, #tpu.memory_space<hbm>>
      %dma_start3A_27 = arith.constant 0 : i32
      %dma_start3A_28 = tpu.memref_slice %arg9[%mul3A_2, %dma_start3A_27] : memref<10112x128xf32, #tpu.memory_space<vmem_shared>> -> memref<632x128xf32, #tpu.memory_space<vmem_shared>>
      tpu.enqueue_dma source(%dma_start3A_28 : memref<632x128xf32, #tpu.memory_space<vmem_shared>>) target(%dma_start3A_26 : memref<632x128xf32, #tpu.memory_space<hbm>>) target_semaphore(%run_scoped3A : memref<!tpu.dma_semaphore, #tpu.memory_space<semaphore_mem>>)
      %dma_wait3A = arith.constant 0 : i32
      %dma_wait3A_29 = tpu.memref_slice %arg6[%arg0, %mul3A_2, %dma_wait3A] : memref<2x10112x128xf32, #tpu.memory_space<hbm>> -> memref<1x632x128xf32, #tpu.memory_space<hbm>>
      %dma_wait3A_30 = tpu.memref_squeeze %dma_wait3A_29 : memref<1x632x128xf32, #tpu.memory_space<hbm>> -> memref<632x128xf32, #tpu.memory_space<hbm>>
      %dma_wait3A_31 = arith.constant 0 : i32
      %dma_wait3A_32 = tpu.memref_slice %arg9[%mul3A_2, %dma_wait3A_31] : memref<10112x128xf32, #tpu.memory_space<vmem_shared>> -> memref<632x128xf32, #tpu.memory_space<vmem_shared>>
      tpu.wait_dma2 semaphore(%run_scoped3A : memref<!tpu.dma_semaphore, #tpu.memory_space<semaphore_mem>>) src(%dma_wait3A_32 : memref<632x128xf32, #tpu.memory_space<vmem_shared>>) dst(%dma_wait3A_30 : memref<632x128xf32, #tpu.memory_space<hbm>>)
      tpu.yield
    }) : () -> ()
    return
  }
}

#map = affine_map<(d0, d1) -> (0, 0)>
#map1 = affine_map<(d0, d1) -> (0, 0, 0, 0)>
#map2 = affine_map<(d0, d1) -> (0, 0, 0)>
module attributes {stable_mosaic.version = 14 : i64} {
  func.func @_pool_body(%arg0: i32, %arg1: i32, %arg2: memref<10000x128xf32, #tpu.memory_space<hbm>>, %arg3: memref<32x3x2x128xi32, #tpu.memory_space<hbm>>, %arg4: memref<32x32xi32, #tpu.memory_space<hbm>>, %arg5: memref<10112x128xf32, #tpu.memory_space<hbm>>, %arg6: memref<128x128xf32, #tpu.memory_space<hbm>>, %arg7: memref<2x640x128xf32, #tpu.memory_space<hbm>>, %arg8: memref<2x640x128xf32, #tpu.memory_space<hbm>>, %arg9: memref<1024x128xf32, #tpu.memory_space<hbm>>, %arg10: memref<2x128xi32, #tpu.memory_space<vmem>>, %arg11: memref<128x128xf32, #tpu.memory_space<vmem>>, %arg12: memref<1x32xi32, #tpu.memory_space<vmem>>, %arg13: memref<32x128xf32, #tpu.memory_space<vmem>>, %arg14: memref<640x128xf32, #tpu.memory_space<vmem_shared>>, %arg15: memref<!tpu.dma_semaphore, #tpu.memory_space<semaphore_mem>>) attributes {dimension_semantics = [#tpu.dimension_semantics<core_parallel>, #tpu.dimension_semantics<subcore_parallel>], iteration_bounds = array<i64: 2, 16>, scalar_prefetch = 0 : i64, scratch_operands = 6 : i64, tpu.core_type = #tpu.core_type<sc_vector_subcore>, window_params = [{transform_indices = #map}, {transform_indices = #map1}, {transform_indices = #map}, {transform_indices = #map}, {transform_indices = #map}, {transform_indices = #map2}, {transform_indices = #map2}, {transform_indices = #map}]} {
    %mul3A = arith.constant 16 : i32
    %mul3A_0 = arith.muli %arg0, %mul3A : i32
    %add3A = arith.addi %mul3A_0, %arg1 : i32
    %mul3A_1 = arith.constant 40 : i32
    %mul3A_2 = arith.muli %arg1, %mul3A_1 : i32
    "tpu.region"() ({
      %run_scoped3A_32 = tpu.sem_alloc : memref<!tpu.dma_semaphore, #tpu.memory_space<semaphore_mem>>
      %dma_start3A_33 = arith.constant 0 : i32
      %dma_start3A_34 = tpu.memref_slice %arg14[%mul3A_2, %dma_start3A_33] : memref<640x128xf32, #tpu.memory_space<vmem_shared>> -> memref<40x128xf32, #tpu.memory_space<vmem_shared>>
      %dma_start3A_35 = arith.constant 0 : i32
      %dma_start3A_36 = tpu.memref_slice %arg5[%mul3A_2, %dma_start3A_35] : memref<10112x128xf32, #tpu.memory_space<hbm>> -> memref<40x128xf32, #tpu.memory_space<hbm>>
      tpu.enqueue_dma source(%dma_start3A_36 : memref<40x128xf32, #tpu.memory_space<hbm>>) target(%dma_start3A_34 : memref<40x128xf32, #tpu.memory_space<vmem_shared>>) target_semaphore(%run_scoped3A_32 : memref<!tpu.dma_semaphore, #tpu.memory_space<semaphore_mem>>)
      %dma_wait3A_37 = arith.constant 0 : i32
      %dma_wait3A_38 = tpu.memref_slice %arg14[%mul3A_2, %dma_wait3A_37] : memref<640x128xf32, #tpu.memory_space<vmem_shared>> -> memref<40x128xf32, #tpu.memory_space<vmem_shared>>
      %dma_wait3A_39 = arith.constant 0 : i32
      %dma_wait3A_40 = tpu.memref_slice %arg5[%mul3A_2, %dma_wait3A_39] : memref<10112x128xf32, #tpu.memory_space<hbm>> -> memref<40x128xf32, #tpu.memory_space<hbm>>
      tpu.wait_dma2 semaphore(%run_scoped3A_32 : memref<!tpu.dma_semaphore, #tpu.memory_space<semaphore_mem>>) src(%dma_wait3A_40 : memref<40x128xf32, #tpu.memory_space<hbm>>) dst(%dma_wait3A_38 : memref<40x128xf32, #tpu.memory_space<vmem_shared>>)
      tpu.yield
    }) : () -> ()
    %barrier3A = arith.constant 0 : index
    tpu.barrier barrier_id(%barrier3A)
    %scan3A = arith.constant 0 : i32
    %scan3A_3 = arith.constant 0 : i32
    %scan3A_4 = arith.constant 3 : i32
    %scan3A_5 = arith.addi %scan3A_3, %scan3A_4 : i32
    %scan3A_6 = arith.constant 1 : i32
    scf.for %scan3A_32 = %scan3A_3 to %scan3A_5 step %scan3A_6  : i32 {
      "tpu.region"() ({
        %run_scoped3A_48 = tpu.sem_alloc : memref<!tpu.dma_semaphore, #tpu.memory_space<semaphore_mem>>
        %dma_start3A_49 = arith.constant 0 : i32
        %dma_start3A_50 = arith.constant 0 : i32
        %dma_start3A_51 = tpu.memref_slice %arg3[%add3A, %scan3A_32, %dma_start3A_49, %dma_start3A_50] : memref<32x3x2x128xi32, #tpu.memory_space<hbm>> -> memref<1x1x2x128xi32, #tpu.memory_space<hbm>>
        %dma_start3A_52 = tpu.memref_squeeze %dma_start3A_51 : memref<1x1x2x128xi32, #tpu.memory_space<hbm>> -> memref<2x128xi32, #tpu.memory_space<hbm>>
        %dma_start3A_53 = arith.constant 0 : i32
        %dma_start3A_54 = arith.constant 0 : i32
        %dma_start3A_55 = tpu.memref_slice %arg3[%add3A, %scan3A_32, %dma_start3A_53, %dma_start3A_54] : memref<32x3x2x128xi32, #tpu.memory_space<hbm>> -> memref<1x1x2x128xi32, #tpu.memory_space<hbm>>
        %dma_start3A_56 = tpu.memref_squeeze %dma_start3A_55 : memref<1x1x2x128xi32, #tpu.memory_space<hbm>> -> memref<2x128xi32, #tpu.memory_space<hbm>>
        tpu.enqueue_dma source(%dma_start3A_56 : memref<2x128xi32, #tpu.memory_space<hbm>>) target(%arg10 : memref<2x128xi32, #tpu.memory_space<vmem>>) target_semaphore(%run_scoped3A_48 : memref<!tpu.dma_semaphore, #tpu.memory_space<semaphore_mem>>)
        %dma_wait3A_57 = arith.constant 0 : i32
        %dma_wait3A_58 = arith.constant 0 : i32
        %dma_wait3A_59 = tpu.memref_slice %arg3[%add3A, %scan3A_32, %dma_wait3A_57, %dma_wait3A_58] : memref<32x3x2x128xi32, #tpu.memory_space<hbm>> -> memref<1x1x2x128xi32, #tpu.memory_space<hbm>>
        %dma_wait3A_60 = tpu.memref_squeeze %dma_wait3A_59 : memref<1x1x2x128xi32, #tpu.memory_space<hbm>> -> memref<2x128xi32, #tpu.memory_space<hbm>>
        %dma_wait3A_61 = arith.constant 0 : i32
        %dma_wait3A_62 = arith.constant 0 : i32
        %dma_wait3A_63 = tpu.memref_slice %arg3[%add3A, %scan3A_32, %dma_wait3A_61, %dma_wait3A_62] : memref<32x3x2x128xi32, #tpu.memory_space<hbm>> -> memref<1x1x2x128xi32, #tpu.memory_space<hbm>>
        %dma_wait3A_64 = tpu.memref_squeeze %dma_wait3A_63 : memref<1x1x2x128xi32, #tpu.memory_space<hbm>> -> memref<2x128xi32, #tpu.memory_space<hbm>>
        tpu.wait_dma2 semaphore(%run_scoped3A_48 : memref<!tpu.dma_semaphore, #tpu.memory_space<semaphore_mem>>) src(%dma_wait3A_64 : memref<2x128xi32, #tpu.memory_space<hbm>>) dst(%arg10 : memref<2x128xi32, #tpu.memory_space<vmem>>)
        tpu.yield
      }) : () -> ()
      %dma_start3A_33 = arith.constant 0 : i32
      %dma_start3A_34 = arith.constant 0 : i32
      %dma_start3A_35 = tpu.memref_slice %arg10[%dma_start3A_33, %dma_start3A_34] : memref<2x128xi32, #tpu.memory_space<vmem>> -> memref<1x128xi32, #tpu.memory_space<vmem>>
      %dma_start3A_36 = tpu.memref_squeeze %dma_start3A_35 : memref<1x128xi32, #tpu.memory_space<vmem>> -> memref<128xi32, #tpu.memory_space<vmem>>
      %dma_start3A_37 = arith.constant 0 : i32
      %dma_start3A_38 = arith.constant 0 : i32
      %dma_start3A_39 = tpu.memref_slice %arg2[%dma_start3A_37, %dma_start3A_38] : memref<10000x128xf32, #tpu.memory_space<hbm>> -> memref<10000x128xf32, #tpu.memory_space<hbm>>
      tpu.enqueue_indirect_dma source(%dma_start3A_39 : memref<10000x128xf32, #tpu.memory_space<hbm>>) target(%arg11 : memref<128x128xf32, #tpu.memory_space<vmem>>) offsets(%dma_start3A_36 : memref<128xi32, #tpu.memory_space<vmem>>) semaphore(%arg15 : memref<!tpu.dma_semaphore, #tpu.memory_space<semaphore_mem>>)
      %dma_wait3A_40 = arith.constant 0 : i32
      %dma_wait3A_41 = arith.constant 0 : i32
      %dma_wait3A_42 = tpu.memref_slice %arg10[%dma_wait3A_40, %dma_wait3A_41] : memref<2x128xi32, #tpu.memory_space<vmem>> -> memref<1x128xi32, #tpu.memory_space<vmem>>
      %dma_wait3A_43 = tpu.memref_squeeze %dma_wait3A_42 : memref<1x128xi32, #tpu.memory_space<vmem>> -> memref<128xi32, #tpu.memory_space<vmem>>
      %dma_wait3A_44 = arith.constant 0 : i32
      %dma_wait3A_45 = arith.constant 0 : i32
      %dma_wait3A_46 = tpu.memref_slice %arg2[%dma_wait3A_44, %dma_wait3A_45] : memref<10000x128xf32, #tpu.memory_space<hbm>> -> memref<10000x128xf32, #tpu.memory_space<hbm>>
      tpu.wait_indirect_dma semaphore(%arg15 : memref<!tpu.dma_semaphore, #tpu.memory_space<semaphore_mem>>) src(%dma_wait3A_46 : memref<10000x128xf32, #tpu.memory_space<hbm>>) dst(%arg11 : memref<128x128xf32, #tpu.memory_space<vmem>>)
      %run_scoped3A_47 = arith.constant 1 : i32
      "tpu.region"() ({
        %run_scoped3A_48 = tpu.sem_alloc : memref<!tpu.dma_semaphore, #tpu.memory_space<semaphore_mem>>
        %dma_start3A_49 = arith.constant 0 : i32
        %dma_start3A_50 = tpu.memref_slice %arg10[%run_scoped3A_47, %dma_start3A_49] : memref<2x128xi32, #tpu.memory_space<vmem>> -> memref<1x128xi32, #tpu.memory_space<vmem>>
        %dma_start3A_51 = tpu.memref_squeeze %dma_start3A_50 : memref<1x128xi32, #tpu.memory_space<vmem>> -> memref<128xi32, #tpu.memory_space<vmem>>
        %dma_start3A_52 = arith.constant 0 : i32
        %dma_start3A_53 = arith.constant 0 : i32
        %dma_start3A_54 = tpu.memref_slice %arg14[%dma_start3A_52, %dma_start3A_53] : memref<640x128xf32, #tpu.memory_space<vmem_shared>> -> memref<640x128xf32, #tpu.memory_space<vmem_shared>>
        tpu.enqueue_indirect_dma source(%arg11 : memref<128x128xf32, #tpu.memory_space<vmem>>) target(%dma_start3A_54 : memref<640x128xf32, #tpu.memory_space<vmem_shared>>) offsets(%dma_start3A_51 : memref<128xi32, #tpu.memory_space<vmem>>) semaphore(%run_scoped3A_48 : memref<!tpu.dma_semaphore, #tpu.memory_space<semaphore_mem>>) {add = true}
        %dma_wait3A_55 = arith.constant 0 : i32
        %dma_wait3A_56 = tpu.memref_slice %arg10[%run_scoped3A_47, %dma_wait3A_55] : memref<2x128xi32, #tpu.memory_space<vmem>> -> memref<1x128xi32, #tpu.memory_space<vmem>>
        %dma_wait3A_57 = tpu.memref_squeeze %dma_wait3A_56 : memref<1x128xi32, #tpu.memory_space<vmem>> -> memref<128xi32, #tpu.memory_space<vmem>>
        %dma_wait3A_58 = arith.constant 0 : i32
        %dma_wait3A_59 = arith.constant 0 : i32
        %dma_wait3A_60 = tpu.memref_slice %arg14[%dma_wait3A_58, %dma_wait3A_59] : memref<640x128xf32, #tpu.memory_space<vmem_shared>> -> memref<640x128xf32, #tpu.memory_space<vmem_shared>>
        tpu.wait_indirect_dma semaphore(%run_scoped3A_48 : memref<!tpu.dma_semaphore, #tpu.memory_space<semaphore_mem>>) src(%arg11 : memref<128x128xf32, #tpu.memory_space<vmem>>) dst(%dma_wait3A_60 : memref<640x128xf32, #tpu.memory_space<vmem_shared>>)
        tpu.yield
      }) : () -> ()
    }
    %scan3A_7 = arith.constant 3 : i32
    %barrier3A_8 = arith.constant 0 : index
    tpu.barrier barrier_id(%barrier3A_8)
    "tpu.region"() ({
      %run_scoped3A_32 = tpu.sem_alloc : memref<!tpu.dma_semaphore, #tpu.memory_space<semaphore_mem>>
      %dma_start3A_33 = arith.constant 0 : i32
      %dma_start3A_34 = tpu.memref_slice %arg7[%arg0, %mul3A_2, %dma_start3A_33] : memref<2x640x128xf32, #tpu.memory_space<hbm>> -> memref<1x40x128xf32, #tpu.memory_space<hbm>>
      %dma_start3A_35 = tpu.memref_squeeze %dma_start3A_34 : memref<1x40x128xf32, #tpu.memory_space<hbm>> -> memref<40x128xf32, #tpu.memory_space<hbm>>
      %dma_start3A_36 = arith.constant 0 : i32
      %dma_start3A_37 = tpu.memref_slice %arg14[%mul3A_2, %dma_start3A_36] : memref<640x128xf32, #tpu.memory_space<vmem_shared>> -> memref<40x128xf32, #tpu.memory_space<vmem_shared>>
      tpu.enqueue_dma source(%dma_start3A_37 : memref<40x128xf32, #tpu.memory_space<vmem_shared>>) target(%dma_start3A_35 : memref<40x128xf32, #tpu.memory_space<hbm>>) target_semaphore(%run_scoped3A_32 : memref<!tpu.dma_semaphore, #tpu.memory_space<semaphore_mem>>)
      %dma_wait3A_38 = arith.constant 0 : i32
      %dma_wait3A_39 = tpu.memref_slice %arg7[%arg0, %mul3A_2, %dma_wait3A_38] : memref<2x640x128xf32, #tpu.memory_space<hbm>> -> memref<1x40x128xf32, #tpu.memory_space<hbm>>
      %dma_wait3A_40 = tpu.memref_squeeze %dma_wait3A_39 : memref<1x40x128xf32, #tpu.memory_space<hbm>> -> memref<40x128xf32, #tpu.memory_space<hbm>>
      %dma_wait3A_41 = arith.constant 0 : i32
      %dma_wait3A_42 = tpu.memref_slice %arg14[%mul3A_2, %dma_wait3A_41] : memref<640x128xf32, #tpu.memory_space<vmem_shared>> -> memref<40x128xf32, #tpu.memory_space<vmem_shared>>
      tpu.wait_dma2 semaphore(%run_scoped3A_32 : memref<!tpu.dma_semaphore, #tpu.memory_space<semaphore_mem>>) src(%dma_wait3A_42 : memref<40x128xf32, #tpu.memory_space<vmem_shared>>) dst(%dma_wait3A_40 : memref<40x128xf32, #tpu.memory_space<hbm>>)
      tpu.yield
    }) : () -> ()
    %barrier3A_9 = arith.constant 0 : index
    tpu.barrier barrier_id(%barrier3A_9)
    "tpu.region"() ({
      %run_scoped3A_32 = tpu.sem_alloc : memref<!tpu.dma_semaphore, #tpu.memory_space<semaphore_mem>>
      %dma_start3A_33 = arith.constant 0 : i32
      %dma_start3A_34 = tpu.memref_slice %arg14[%mul3A_2, %dma_start3A_33] : memref<640x128xf32, #tpu.memory_space<vmem_shared>> -> memref<40x128xf32, #tpu.memory_space<vmem_shared>>
      %dma_start3A_35 = arith.constant 0 : i32
      %dma_start3A_36 = tpu.memref_slice %arg5[%mul3A_2, %dma_start3A_35] : memref<10112x128xf32, #tpu.memory_space<hbm>> -> memref<40x128xf32, #tpu.memory_space<hbm>>
      tpu.enqueue_dma source(%dma_start3A_36 : memref<40x128xf32, #tpu.memory_space<hbm>>) target(%dma_start3A_34 : memref<40x128xf32, #tpu.memory_space<vmem_shared>>) target_semaphore(%run_scoped3A_32 : memref<!tpu.dma_semaphore, #tpu.memory_space<semaphore_mem>>)
      %dma_wait3A_37 = arith.constant 0 : i32
      %dma_wait3A_38 = tpu.memref_slice %arg14[%mul3A_2, %dma_wait3A_37] : memref<640x128xf32, #tpu.memory_space<vmem_shared>> -> memref<40x128xf32, #tpu.memory_space<vmem_shared>>
      %dma_wait3A_39 = arith.constant 0 : i32
      %dma_wait3A_40 = tpu.memref_slice %arg5[%mul3A_2, %dma_wait3A_39] : memref<10112x128xf32, #tpu.memory_space<hbm>> -> memref<40x128xf32, #tpu.memory_space<hbm>>
      tpu.wait_dma2 semaphore(%run_scoped3A_32 : memref<!tpu.dma_semaphore, #tpu.memory_space<semaphore_mem>>) src(%dma_wait3A_40 : memref<40x128xf32, #tpu.memory_space<hbm>>) dst(%dma_wait3A_38 : memref<40x128xf32, #tpu.memory_space<vmem_shared>>)
      tpu.yield
    }) : () -> ()
    "tpu.region"() ({
      %run_scoped3A_32 = tpu.sem_alloc : memref<!tpu.dma_semaphore, #tpu.memory_space<semaphore_mem>>
      tpu.enqueue_dma source(%arg6 : memref<128x128xf32, #tpu.memory_space<hbm>>) target(%arg11 : memref<128x128xf32, #tpu.memory_space<vmem>>) target_semaphore(%run_scoped3A_32 : memref<!tpu.dma_semaphore, #tpu.memory_space<semaphore_mem>>)
      tpu.wait_dma2 semaphore(%run_scoped3A_32 : memref<!tpu.dma_semaphore, #tpu.memory_space<semaphore_mem>>) src(%arg6 : memref<128x128xf32, #tpu.memory_space<hbm>>) dst(%arg11 : memref<128x128xf32, #tpu.memory_space<vmem>>)
      tpu.yield
    }) : () -> ()
    %barrier3A_10 = arith.constant 0 : index
    tpu.barrier barrier_id(%barrier3A_10)
    %scan3A_11 = arith.constant 0 : i32
    %scan3A_12 = arith.constant 0 : i32
    %scan3A_13 = arith.constant 3 : i32
    %scan3A_14 = arith.addi %scan3A_12, %scan3A_13 : i32
    %scan3A_15 = arith.constant 1 : i32
    scf.for %scan3A_32 = %scan3A_12 to %scan3A_14 step %scan3A_15  : i32 {
      "tpu.region"() ({
        %run_scoped3A_34 = tpu.sem_alloc : memref<!tpu.dma_semaphore, #tpu.memory_space<semaphore_mem>>
        %dma_start3A_35 = arith.constant 0 : i32
        %dma_start3A_36 = arith.constant 0 : i32
        %dma_start3A_37 = tpu.memref_slice %arg3[%add3A, %scan3A_32, %dma_start3A_35, %dma_start3A_36] : memref<32x3x2x128xi32, #tpu.memory_space<hbm>> -> memref<1x1x2x128xi32, #tpu.memory_space<hbm>>
        %dma_start3A_38 = tpu.memref_squeeze %dma_start3A_37 : memref<1x1x2x128xi32, #tpu.memory_space<hbm>> -> memref<2x128xi32, #tpu.memory_space<hbm>>
        %dma_start3A_39 = arith.constant 0 : i32
        %dma_start3A_40 = arith.constant 0 : i32
        %dma_start3A_41 = tpu.memref_slice %arg3[%add3A, %scan3A_32, %dma_start3A_39, %dma_start3A_40] : memref<32x3x2x128xi32, #tpu.memory_space<hbm>> -> memref<1x1x2x128xi32, #tpu.memory_space<hbm>>
        %dma_start3A_42 = tpu.memref_squeeze %dma_start3A_41 : memref<1x1x2x128xi32, #tpu.memory_space<hbm>> -> memref<2x128xi32, #tpu.memory_space<hbm>>
        tpu.enqueue_dma source(%dma_start3A_42 : memref<2x128xi32, #tpu.memory_space<hbm>>) target(%arg10 : memref<2x128xi32, #tpu.memory_space<vmem>>) target_semaphore(%run_scoped3A_34 : memref<!tpu.dma_semaphore, #tpu.memory_space<semaphore_mem>>)
        %dma_wait3A_43 = arith.constant 0 : i32
        %dma_wait3A_44 = arith.constant 0 : i32
        %dma_wait3A_45 = tpu.memref_slice %arg3[%add3A, %scan3A_32, %dma_wait3A_43, %dma_wait3A_44] : memref<32x3x2x128xi32, #tpu.memory_space<hbm>> -> memref<1x1x2x128xi32, #tpu.memory_space<hbm>>
        %dma_wait3A_46 = tpu.memref_squeeze %dma_wait3A_45 : memref<1x1x2x128xi32, #tpu.memory_space<hbm>> -> memref<2x128xi32, #tpu.memory_space<hbm>>
        %dma_wait3A_47 = arith.constant 0 : i32
        %dma_wait3A_48 = arith.constant 0 : i32
        %dma_wait3A_49 = tpu.memref_slice %arg3[%add3A, %scan3A_32, %dma_wait3A_47, %dma_wait3A_48] : memref<32x3x2x128xi32, #tpu.memory_space<hbm>> -> memref<1x1x2x128xi32, #tpu.memory_space<hbm>>
        %dma_wait3A_50 = tpu.memref_squeeze %dma_wait3A_49 : memref<1x1x2x128xi32, #tpu.memory_space<hbm>> -> memref<2x128xi32, #tpu.memory_space<hbm>>
        tpu.wait_dma2 semaphore(%run_scoped3A_34 : memref<!tpu.dma_semaphore, #tpu.memory_space<semaphore_mem>>) src(%dma_wait3A_50 : memref<2x128xi32, #tpu.memory_space<hbm>>) dst(%arg10 : memref<2x128xi32, #tpu.memory_space<vmem>>)
        tpu.yield
      }) : () -> ()
      %run_scoped3A_33 = arith.constant 1 : i32
      "tpu.region"() ({
        %run_scoped3A_34 = tpu.sem_alloc : memref<!tpu.dma_semaphore, #tpu.memory_space<semaphore_mem>>
        %dma_start3A_35 = arith.constant 0 : i32
        %dma_start3A_36 = tpu.memref_slice %arg10[%run_scoped3A_33, %dma_start3A_35] : memref<2x128xi32, #tpu.memory_space<vmem>> -> memref<1x128xi32, #tpu.memory_space<vmem>>
        %dma_start3A_37 = tpu.memref_squeeze %dma_start3A_36 : memref<1x128xi32, #tpu.memory_space<vmem>> -> memref<128xi32, #tpu.memory_space<vmem>>
        %dma_start3A_38 = arith.constant 0 : i32
        %dma_start3A_39 = arith.constant 0 : i32
        %dma_start3A_40 = tpu.memref_slice %arg14[%dma_start3A_38, %dma_start3A_39] : memref<640x128xf32, #tpu.memory_space<vmem_shared>> -> memref<640x128xf32, #tpu.memory_space<vmem_shared>>
        tpu.enqueue_indirect_dma source(%arg11 : memref<128x128xf32, #tpu.memory_space<vmem>>) target(%dma_start3A_40 : memref<640x128xf32, #tpu.memory_space<vmem_shared>>) offsets(%dma_start3A_37 : memref<128xi32, #tpu.memory_space<vmem>>) semaphore(%run_scoped3A_34 : memref<!tpu.dma_semaphore, #tpu.memory_space<semaphore_mem>>) {add = true}
        %dma_wait3A_41 = arith.constant 0 : i32
        %dma_wait3A_42 = tpu.memref_slice %arg10[%run_scoped3A_33, %dma_wait3A_41] : memref<2x128xi32, #tpu.memory_space<vmem>> -> memref<1x128xi32, #tpu.memory_space<vmem>>
        %dma_wait3A_43 = tpu.memref_squeeze %dma_wait3A_42 : memref<1x128xi32, #tpu.memory_space<vmem>> -> memref<128xi32, #tpu.memory_space<vmem>>
        %dma_wait3A_44 = arith.constant 0 : i32
        %dma_wait3A_45 = arith.constant 0 : i32
        %dma_wait3A_46 = tpu.memref_slice %arg14[%dma_wait3A_44, %dma_wait3A_45] : memref<640x128xf32, #tpu.memory_space<vmem_shared>> -> memref<640x128xf32, #tpu.memory_space<vmem_shared>>
        tpu.wait_indirect_dma semaphore(%run_scoped3A_34 : memref<!tpu.dma_semaphore, #tpu.memory_space<semaphore_mem>>) src(%arg11 : memref<128x128xf32, #tpu.memory_space<vmem>>) dst(%dma_wait3A_46 : memref<640x128xf32, #tpu.memory_space<vmem_shared>>)
        tpu.yield
      }) : () -> ()
    }
    %scan3A_16 = arith.constant 3 : i32
    %barrier3A_17 = arith.constant 0 : index
    tpu.barrier barrier_id(%barrier3A_17)
    "tpu.region"() ({
      %run_scoped3A_32 = tpu.sem_alloc : memref<!tpu.dma_semaphore, #tpu.memory_space<semaphore_mem>>
      %dma_start3A_33 = arith.constant 0 : i32
      %dma_start3A_34 = tpu.memref_slice %arg8[%arg0, %mul3A_2, %dma_start3A_33] : memref<2x640x128xf32, #tpu.memory_space<hbm>> -> memref<1x40x128xf32, #tpu.memory_space<hbm>>
      %dma_start3A_35 = tpu.memref_squeeze %dma_start3A_34 : memref<1x40x128xf32, #tpu.memory_space<hbm>> -> memref<40x128xf32, #tpu.memory_space<hbm>>
      %dma_start3A_36 = arith.constant 0 : i32
      %dma_start3A_37 = tpu.memref_slice %arg14[%mul3A_2, %dma_start3A_36] : memref<640x128xf32, #tpu.memory_space<vmem_shared>> -> memref<40x128xf32, #tpu.memory_space<vmem_shared>>
      tpu.enqueue_dma source(%dma_start3A_37 : memref<40x128xf32, #tpu.memory_space<vmem_shared>>) target(%dma_start3A_35 : memref<40x128xf32, #tpu.memory_space<hbm>>) target_semaphore(%run_scoped3A_32 : memref<!tpu.dma_semaphore, #tpu.memory_space<semaphore_mem>>)
      %dma_wait3A_38 = arith.constant 0 : i32
      %dma_wait3A_39 = tpu.memref_slice %arg8[%arg0, %mul3A_2, %dma_wait3A_38] : memref<2x640x128xf32, #tpu.memory_space<hbm>> -> memref<1x40x128xf32, #tpu.memory_space<hbm>>
      %dma_wait3A_40 = tpu.memref_squeeze %dma_wait3A_39 : memref<1x40x128xf32, #tpu.memory_space<hbm>> -> memref<40x128xf32, #tpu.memory_space<hbm>>
      %dma_wait3A_41 = arith.constant 0 : i32
      %dma_wait3A_42 = tpu.memref_slice %arg14[%mul3A_2, %dma_wait3A_41] : memref<640x128xf32, #tpu.memory_space<vmem_shared>> -> memref<40x128xf32, #tpu.memory_space<vmem_shared>>
      tpu.wait_dma2 semaphore(%run_scoped3A_32 : memref<!tpu.dma_semaphore, #tpu.memory_space<semaphore_mem>>) src(%dma_wait3A_42 : memref<40x128xf32, #tpu.memory_space<vmem_shared>>) dst(%dma_wait3A_40 : memref<40x128xf32, #tpu.memory_space<hbm>>)
      tpu.yield
    }) : () -> ()
    %run_scoped3A = arith.constant 0 : i32
    "tpu.region"() ({
      %run_scoped3A_32 = tpu.sem_alloc : memref<!tpu.dma_semaphore, #tpu.memory_space<semaphore_mem>>
      %dma_start3A_33 = arith.constant 0 : i32
      %dma_start3A_34 = tpu.memref_slice %arg12[%run_scoped3A, %dma_start3A_33] : memref<1x32xi32, #tpu.memory_space<vmem>> -> memref<1x32xi32, #tpu.memory_space<vmem>>
      %dma_start3A_35 = tpu.memref_squeeze %dma_start3A_34 : memref<1x32xi32, #tpu.memory_space<vmem>> -> memref<32xi32, #tpu.memory_space<vmem>>
      %dma_start3A_36 = arith.constant 0 : i32
      %dma_start3A_37 = tpu.memref_slice %arg4[%add3A, %dma_start3A_36] : memref<32x32xi32, #tpu.memory_space<hbm>> -> memref<1x32xi32, #tpu.memory_space<hbm>>
      %dma_start3A_38 = tpu.memref_squeeze %dma_start3A_37 : memref<1x32xi32, #tpu.memory_space<hbm>> -> memref<32xi32, #tpu.memory_space<hbm>>
      %dma_start3A_39 = arith.constant 0 : i32
      %dma_start3A_40 = tpu.memref_slice %arg12[%run_scoped3A, %dma_start3A_39] : memref<1x32xi32, #tpu.memory_space<vmem>> -> memref<1x32xi32, #tpu.memory_space<vmem>>
      %dma_start3A_41 = tpu.memref_squeeze %dma_start3A_40 : memref<1x32xi32, #tpu.memory_space<vmem>> -> memref<32xi32, #tpu.memory_space<vmem>>
      %dma_start3A_42 = arith.constant 0 : i32
      %dma_start3A_43 = tpu.memref_slice %arg4[%add3A, %dma_start3A_42] : memref<32x32xi32, #tpu.memory_space<hbm>> -> memref<1x32xi32, #tpu.memory_space<hbm>>
      %dma_start3A_44 = tpu.memref_squeeze %dma_start3A_43 : memref<1x32xi32, #tpu.memory_space<hbm>> -> memref<32xi32, #tpu.memory_space<hbm>>
      tpu.enqueue_dma source(%dma_start3A_44 : memref<32xi32, #tpu.memory_space<hbm>>) target(%dma_start3A_41 : memref<32xi32, #tpu.memory_space<vmem>>) target_semaphore(%run_scoped3A_32 : memref<!tpu.dma_semaphore, #tpu.memory_space<semaphore_mem>>)
      %dma_wait3A_45 = arith.constant 0 : i32
      %dma_wait3A_46 = tpu.memref_slice %arg12[%run_scoped3A, %dma_wait3A_45] : memref<1x32xi32, #tpu.memory_space<vmem>> -> memref<1x32xi32, #tpu.memory_space<vmem>>
      %dma_wait3A_47 = tpu.memref_squeeze %dma_wait3A_46 : memref<1x32xi32, #tpu.memory_space<vmem>> -> memref<32xi32, #tpu.memory_space<vmem>>
      %dma_wait3A_48 = arith.constant 0 : i32
      %dma_wait3A_49 = tpu.memref_slice %arg4[%add3A, %dma_wait3A_48] : memref<32x32xi32, #tpu.memory_space<hbm>> -> memref<1x32xi32, #tpu.memory_space<hbm>>
      %dma_wait3A_50 = tpu.memref_squeeze %dma_wait3A_49 : memref<1x32xi32, #tpu.memory_space<hbm>> -> memref<32xi32, #tpu.memory_space<hbm>>
      %dma_wait3A_51 = arith.constant 0 : i32
      %dma_wait3A_52 = tpu.memref_slice %arg12[%run_scoped3A, %dma_wait3A_51] : memref<1x32xi32, #tpu.memory_space<vmem>> -> memref<1x32xi32, #tpu.memory_space<vmem>>
      %dma_wait3A_53 = tpu.memref_squeeze %dma_wait3A_52 : memref<1x32xi32, #tpu.memory_space<vmem>> -> memref<32xi32, #tpu.memory_space<vmem>>
      %dma_wait3A_54 = arith.constant 0 : i32
      %dma_wait3A_55 = tpu.memref_slice %arg4[%add3A, %dma_wait3A_54] : memref<32x32xi32, #tpu.memory_space<hbm>> -> memref<1x32xi32, #tpu.memory_space<hbm>>
      %dma_wait3A_56 = tpu.memref_squeeze %dma_wait3A_55 : memref<1x32xi32, #tpu.memory_space<hbm>> -> memref<32xi32, #tpu.memory_space<hbm>>
      tpu.wait_dma2 semaphore(%run_scoped3A_32 : memref<!tpu.dma_semaphore, #tpu.memory_space<semaphore_mem>>) src(%dma_wait3A_56 : memref<32xi32, #tpu.memory_space<hbm>>) dst(%dma_wait3A_53 : memref<32xi32, #tpu.memory_space<vmem>>)
      tpu.yield
    }) : () -> ()
    %dma_start3A = arith.constant 0 : i32
    %dma_start3A_18 = arith.constant 0 : i32
    %dma_start3A_19 = tpu.memref_slice %arg12[%dma_start3A, %dma_start3A_18] : memref<1x32xi32, #tpu.memory_space<vmem>> -> memref<1x32xi32, #tpu.memory_space<vmem>>
    %dma_start3A_20 = tpu.memref_squeeze %dma_start3A_19 : memref<1x32xi32, #tpu.memory_space<vmem>> -> memref<32xi32, #tpu.memory_space<vmem>>
    %dma_start3A_21 = arith.constant 0 : i32
    %dma_start3A_22 = arith.constant 0 : i32
    %dma_start3A_23 = tpu.memref_slice %arg2[%dma_start3A_21, %dma_start3A_22] : memref<10000x128xf32, #tpu.memory_space<hbm>> -> memref<10000x128xf32, #tpu.memory_space<hbm>>
    tpu.enqueue_indirect_dma source(%dma_start3A_23 : memref<10000x128xf32, #tpu.memory_space<hbm>>) target(%arg13 : memref<32x128xf32, #tpu.memory_space<vmem>>) offsets(%dma_start3A_20 : memref<32xi32, #tpu.memory_space<vmem>>) semaphore(%arg15 : memref<!tpu.dma_semaphore, #tpu.memory_space<semaphore_mem>>)
    %dma_wait3A = arith.constant 0 : i32
    %dma_wait3A_24 = arith.constant 0 : i32
    %dma_wait3A_25 = tpu.memref_slice %arg12[%dma_wait3A, %dma_wait3A_24] : memref<1x32xi32, #tpu.memory_space<vmem>> -> memref<1x32xi32, #tpu.memory_space<vmem>>
    %dma_wait3A_26 = tpu.memref_squeeze %dma_wait3A_25 : memref<1x32xi32, #tpu.memory_space<vmem>> -> memref<32xi32, #tpu.memory_space<vmem>>
    %dma_wait3A_27 = arith.constant 0 : i32
    %dma_wait3A_28 = arith.constant 0 : i32
    %dma_wait3A_29 = tpu.memref_slice %arg2[%dma_wait3A_27, %dma_wait3A_28] : memref<10000x128xf32, #tpu.memory_space<hbm>> -> memref<10000x128xf32, #tpu.memory_space<hbm>>
    tpu.wait_indirect_dma semaphore(%arg15 : memref<!tpu.dma_semaphore, #tpu.memory_space<semaphore_mem>>) src(%dma_wait3A_29 : memref<10000x128xf32, #tpu.memory_space<hbm>>) dst(%arg13 : memref<32x128xf32, #tpu.memory_space<vmem>>)
    %mul3A_30 = arith.constant 32 : i32
    %mul3A_31 = arith.muli %add3A, %mul3A_30 : i32
    %multiple_of3A = tpu.assume_multiple %mul3A_31, 32 : i32
    "tpu.region"() ({
      %run_scoped3A_32 = tpu.sem_alloc : memref<!tpu.dma_semaphore, #tpu.memory_space<semaphore_mem>>
      %dma_start3A_33 = arith.constant 0 : i32
      %dma_start3A_34 = tpu.memref_slice %arg9[%multiple_of3A, %dma_start3A_33] : memref<1024x128xf32, #tpu.memory_space<hbm>> -> memref<32x128xf32, #tpu.memory_space<hbm>>
      %dma_start3A_35 = arith.constant 0 : i32
      %dma_start3A_36 = tpu.memref_slice %arg9[%multiple_of3A, %dma_start3A_35] : memref<1024x128xf32, #tpu.memory_space<hbm>> -> memref<32x128xf32, #tpu.memory_space<hbm>>
      tpu.enqueue_dma source(%arg13 : memref<32x128xf32, #tpu.memory_space<vmem>>) target(%dma_start3A_36 : memref<32x128xf32, #tpu.memory_space<hbm>>) target_semaphore(%run_scoped3A_32 : memref<!tpu.dma_semaphore, #tpu.memory_space<semaphore_mem>>)
      %dma_wait3A_37 = arith.constant 0 : i32
      %dma_wait3A_38 = tpu.memref_slice %arg9[%multiple_of3A, %dma_wait3A_37] : memref<1024x128xf32, #tpu.memory_space<hbm>> -> memref<32x128xf32, #tpu.memory_space<hbm>>
      %dma_wait3A_39 = arith.constant 0 : i32
      %dma_wait3A_40 = tpu.memref_slice %arg9[%multiple_of3A, %dma_wait3A_39] : memref<1024x128xf32, #tpu.memory_space<hbm>> -> memref<32x128xf32, #tpu.memory_space<hbm>>
      tpu.wait_dma2 semaphore(%run_scoped3A_32 : memref<!tpu.dma_semaphore, #tpu.memory_space<semaphore_mem>>) src(%arg13 : memref<32x128xf32, #tpu.memory_space<vmem>>) dst(%dma_wait3A_40 : memref<32x128xf32, #tpu.memory_space<hbm>>)
      tpu.yield
    }) : () -> ()
    return
  }
}

module attributes {stable_mosaic.version = 14 : i64} {
  func.func @_pre_body(%arg0: i32, %arg1: memref<1000x128xf32, #tpu.memory_space<vmem>>, %arg2: memref<128x128xf32, #tpu.memory_space<vmem>>, %arg3: memref<128x128xf32, #tpu.memory_space<vmem>>, %arg4: memref<1x128xf32, #tpu.memory_space<vmem>>, %arg5: memref<1000x128xf32, #tpu.memory_space<vmem>>, %arg6: memref<1000x128xf32, #tpu.memory_space<vmem>>) attributes {dimension_semantics = [#tpu.dimension_semantics<arbitrary>], iteration_bounds = array<i64: 10>, scalar_prefetch = 0 : i64, scratch_operands = 0 : i64, tpu.core_type = #tpu.core_type<tc>, window_params = [{transform_indices = @transform_0, window_bounds = array<i64: 1000, 128>}, {pipeline_mode = #tpu.pipeline_mode<synchronous>, transform_indices = @transform_1, window_bounds = array<i64: 128, 128>}, {pipeline_mode = #tpu.pipeline_mode<synchronous>, transform_indices = @transform_2, window_bounds = array<i64: 128, 128>}, {pipeline_mode = #tpu.pipeline_mode<synchronous>, transform_indices = @transform_3, window_bounds = array<i64: 1, 128>}, {transform_indices = @transform_4, window_bounds = array<i64: 1000, 128>}, {transform_indices = @transform_5, window_bounds = array<i64: 1000, 128>}]} {
    %get3A = arith.constant 0 : index
    %get3A_0 = arith.constant 0 : index
    %get3A_1 = vector.load %arg1[%get3A, %get3A_0] : memref<1000x128xf32, #tpu.memory_space<vmem>>, vector<1000x128xf32>
    %get3A_2 = arith.constant 0 : index
    %get3A_3 = arith.constant 0 : index
    %get3A_4 = vector.load %arg2[%get3A_2, %get3A_3] : memref<128x128xf32, #tpu.memory_space<vmem>>, vector<128x128xf32>
    %dot_general3A = arith.constant dense<0.000000e+00> : vector<1000x128xf32>
    %dot_general3A_5 = tpu.matmul %get3A_1, %get3A_4, %dot_general3A {dimension_numbers = #tpu.dot_dimension_numbers<[1], [0], [0], [1], [0, 0, 1, 1], [], []>, transpose_lhs_hint = false} : vector<1000x128xf32>, vector<128x128xf32>, vector<1000x128xf32> -> vector<1000x128xf32>
    %swap3A = arith.constant 0 : index
    %swap3A_6 = arith.constant 0 : index
    %swap3A_7 = vector.load %arg5[%swap3A, %swap3A_6] : memref<1000x128xf32, #tpu.memory_space<vmem>>, vector<1000x128xf32>
    tpu.vector_store %arg5[%swap3A, %swap3A_6], %dot_general3A_5 {strides = array<i32>} : memref<1000x128xf32, #tpu.memory_space<vmem>>, vector<1000x128xf32>,
    %get3A_8 = arith.constant 0 : index
    %get3A_9 = arith.constant 0 : index
    %get3A_10 = vector.load %arg3[%get3A_8, %get3A_9] : memref<128x128xf32, #tpu.memory_space<vmem>>, vector<128x128xf32>
    %dot_general3A_11 = arith.constant dense<0.000000e+00> : vector<1000x128xf32>
    %dot_general3A_12 = tpu.matmul %get3A_1, %get3A_10, %dot_general3A_11 {dimension_numbers = #tpu.dot_dimension_numbers<[1], [0], [0], [1], [0, 0, 1, 1], [], []>, transpose_lhs_hint = false} : vector<1000x128xf32>, vector<128x128xf32>, vector<1000x128xf32> -> vector<1000x128xf32>
    %get3A_13 = arith.constant 0 : index
    %get3A_14 = arith.constant 0 : index
    %get3A_15 = vector.load %arg4[%get3A_13, %get3A_14] : memref<1x128xf32, #tpu.memory_space<vmem>>, vector<1x128xf32>
    %add3A = vector.broadcast %get3A_15 : vector<1x128xf32> to vector<1000x128xf32>
    %add3A_16 = arith.addf %dot_general3A_12, %add3A : vector<1000x128xf32>
    %swap3A_17 = arith.constant 0 : index
    %swap3A_18 = arith.constant 0 : index
    %swap3A_19 = vector.load %arg6[%swap3A_17, %swap3A_18] : memref<1000x128xf32, #tpu.memory_space<vmem>>, vector<1000x128xf32>
    tpu.vector_store %arg6[%swap3A_17, %swap3A_18], %add3A_16 {strides = array<i32>} : memref<1000x128xf32, #tpu.memory_space<vmem>>, vector<1000x128xf32>,
    return
  }
  func.func @transform_0(%arg0: i32) -> (i32, i32) {
    %c0_i32 = arith.constant 0 : i32
    %c0_i32_0 = arith.constant 0 : i32
    return %arg0, %c0_i32 : i32, i32
  }
  func.func @transform_1(%arg0: i32) -> (i32, i32) {
    %c0_i32 = arith.constant 0 : i32
    %c0_i32_0 = arith.constant 0 : i32
    %c0_i32_1 = arith.constant 0 : i32
    return %c0_i32, %c0_i32_0 : i32, i32
  }
  func.func @transform_2(%arg0: i32) -> (i32, i32) {
    %c0_i32 = arith.constant 0 : i32
    %c0_i32_0 = arith.constant 0 : i32
    %c0_i32_1 = arith.constant 0 : i32
    return %c0_i32, %c0_i32_0 : i32, i32
  }
  func.func @transform_3(%arg0: i32) -> (i32, i32) {
    %c0_i32 = arith.constant 0 : i32
    %c0_i32_0 = arith.constant 0 : i32
    %c0_i32_1 = arith.constant 0 : i32
    return %c0_i32, %c0_i32_0 : i32, i32
  }
  func.func @transform_4(%arg0: i32) -> (i32, i32) {
    %c0_i32 = arith.constant 0 : i32
    %c0_i32_0 = arith.constant 0 : i32
    return %arg0, %c0_i32 : i32, i32
  }
  func.func @transform_5(%arg0: i32) -> (i32, i32) {
    %c0_i32 = arith.constant 0 : i32
    %c0_i32_0 = arith.constant 0 : i32
    return %arg0, %c0_i32 : i32, i32
  }
}

module attributes {stable_mosaic.version = 14 : i64} {
  func.func @_mid_body(%arg0: i32, %arg1: memref<1000x128xf32, #tpu.memory_space<vmem>>, %arg2: memref<1000x128xf32, #tpu.memory_space<vmem>>, %arg3: memref<1000x128xf32, #tpu.memory_space<vmem>>, %arg4: memref<1000x128xf32, #tpu.memory_space<vmem>>, %arg5: memref<1000x128xf32, #tpu.memory_space<vmem>>, %arg6: memref<128x128xf32, #tpu.memory_space<vmem>>, %arg7: memref<128x128xf32, #tpu.memory_space<vmem>>, %arg8: memref<1x128xf32, #tpu.memory_space<vmem>>, %arg9: memref<1000x128xf32, #tpu.memory_space<vmem>>, %arg10: memref<1000x128xf32, #tpu.memory_space<vmem>>) attributes {dimension_semantics = [#tpu.dimension_semantics<arbitrary>], iteration_bounds = array<i64: 10>, scalar_prefetch = 0 : i64, scratch_operands = 0 : i64, tpu.core_type = #tpu.core_type<tc>, window_params = [{transform_indices = @transform_0, window_bounds = array<i64: 1000, 128>}, {transform_indices = @transform_1, window_bounds = array<i64: 1000, 128>}, {transform_indices = @transform_2, window_bounds = array<i64: 1000, 128>}, {transform_indices = @transform_3, window_bounds = array<i64: 1000, 128>}, {transform_indices = @transform_4, window_bounds = array<i64: 1000, 128>}, {pipeline_mode = #tpu.pipeline_mode<synchronous>, transform_indices = @transform_5, window_bounds = array<i64: 128, 128>}, {pipeline_mode = #tpu.pipeline_mode<synchronous>, transform_indices = @transform_6, window_bounds = array<i64: 128, 128>}, {pipeline_mode = #tpu.pipeline_mode<synchronous>, transform_indices = @transform_7, window_bounds = array<i64: 1, 128>}, {transform_indices = @transform_8, window_bounds = array<i64: 1000, 128>}, {transform_indices = @transform_9, window_bounds = array<i64: 1000, 128>}]} {
    %get3A = arith.constant 0 : index
    %get3A_0 = arith.constant 0 : index
    %get3A_1 = vector.load %arg3[%get3A, %get3A_0] : memref<1000x128xf32, #tpu.memory_space<vmem>>, vector<1000x128xf32>
    %slice3A = vector.extract_strided_slice %get3A_1 {offsets = [0, 0], sizes = [1000, 1], strides = [1, 1]} : vector<1000x128xf32> to vector<1000x1xf32>
    %get3A_2 = arith.constant 0 : index
    %get3A_3 = arith.constant 0 : index
    %get3A_4 = vector.load %arg4[%get3A_2, %get3A_3] : memref<1000x128xf32, #tpu.memory_space<vmem>>, vector<1000x128xf32>
    %slice3A_5 = vector.extract_strided_slice %get3A_4 {offsets = [0, 0], sizes = [1000, 1], strides = [1, 1]} : vector<1000x128xf32> to vector<1000x1xf32>
    %add3A = arith.addf %slice3A, %slice3A_5 : vector<1000x1xf32>
    %max3A = arith.constant 1.000000e+00 : f32
    %max3A_6 = vector.broadcast %max3A : f32 to vector<1000x1xf32>
    %max3A_7 = arith.maximumf %add3A, %max3A_6 : vector<1000x1xf32>
    %get3A_8 = arith.constant 0 : index
    %get3A_9 = arith.constant 0 : index
    %get3A_10 = vector.load %arg1[%get3A_8, %get3A_9] : memref<1000x128xf32, #tpu.memory_space<vmem>>, vector<1000x128xf32>
    %get3A_11 = arith.constant 0 : index
    %get3A_12 = arith.constant 0 : index
    %get3A_13 = vector.load %arg2[%get3A_11, %get3A_12] : memref<1000x128xf32, #tpu.memory_space<vmem>>, vector<1000x128xf32>
    %add3A_14 = arith.addf %get3A_10, %get3A_13 : vector<1000x128xf32>
    %div3A = vector.broadcast %max3A_7 : vector<1000x1xf32> to vector<1000x128xf32>
    %div3A_15 = arith.divf %add3A_14, %div3A : vector<1000x128xf32>
    %get3A_16 = arith.constant 0 : index
    %get3A_17 = arith.constant 0 : index
    %get3A_18 = vector.load %arg5[%get3A_16, %get3A_17] : memref<1000x128xf32, #tpu.memory_space<vmem>>, vector<1000x128xf32>
    %add3A_19 = arith.addf %div3A_15, %get3A_18 : vector<1000x128xf32>
    %max3A_20 = arith.constant 0.000000e+00 : f32
    %max3A_21 = vector.broadcast %max3A_20 : f32 to vector<1000x128xf32>
    %max3A_22 = arith.maximumf %add3A_19, %max3A_21 : vector<1000x128xf32>
    %get3A_23 = arith.constant 0 : index
    %get3A_24 = arith.constant 0 : index
    %get3A_25 = vector.load %arg6[%get3A_23, %get3A_24] : memref<128x128xf32, #tpu.memory_space<vmem>>, vector<128x128xf32>
    %dot_general3A = arith.constant dense<0.000000e+00> : vector<1000x128xf32>
    %dot_general3A_26 = tpu.matmul %max3A_22, %get3A_25, %dot_general3A {dimension_numbers = #tpu.dot_dimension_numbers<[1], [0], [0], [1], [0, 0, 1, 1], [], []>, transpose_lhs_hint = false} : vector<1000x128xf32>, vector<128x128xf32>, vector<1000x128xf32> -> vector<1000x128xf32>
    %swap3A = arith.constant 0 : index
    %swap3A_27 = arith.constant 0 : index
    %swap3A_28 = vector.load %arg9[%swap3A, %swap3A_27] : memref<1000x128xf32, #tpu.memory_space<vmem>>, vector<1000x128xf32>
    tpu.vector_store %arg9[%swap3A, %swap3A_27], %dot_general3A_26 {strides = array<i32>} : memref<1000x128xf32, #tpu.memory_space<vmem>>, vector<1000x128xf32>,
    %get3A_29 = arith.constant 0 : index
    %get3A_30 = arith.constant 0 : index
    %get3A_31 = vector.load %arg7[%get3A_29, %get3A_30] : memref<128x128xf32, #tpu.memory_space<vmem>>, vector<128x128xf32>
    %dot_general3A_32 = arith.constant dense<0.000000e+00> : vector<1000x128xf32>
    %dot_general3A_33 = tpu.matmul %max3A_22, %get3A_31, %dot_general3A_32 {dimension_numbers = #tpu.dot_dimension_numbers<[1], [0], [0], [1], [0, 0, 1, 1], [], []>, transpose_lhs_hint = false} : vector<1000x128xf32>, vector<128x128xf32>, vector<1000x128xf32> -> vector<1000x128xf32>
    %get3A_34 = arith.constant 0 : index
    %get3A_35 = arith.constant 0 : index
    %get3A_36 = vector.load %arg8[%get3A_34, %get3A_35] : memref<1x128xf32, #tpu.memory_space<vmem>>, vector<1x128xf32>
    %add3A_37 = vector.broadcast %get3A_36 : vector<1x128xf32> to vector<1000x128xf32>
    %add3A_38 = arith.addf %dot_general3A_33, %add3A_37 : vector<1000x128xf32>
    %swap3A_39 = arith.constant 0 : index
    %swap3A_40 = arith.constant 0 : index
    %swap3A_41 = vector.load %arg10[%swap3A_39, %swap3A_40] : memref<1000x128xf32, #tpu.memory_space<vmem>>, vector<1000x128xf32>
    tpu.vector_store %arg10[%swap3A_39, %swap3A_40], %add3A_38 {strides = array<i32>} : memref<1000x128xf32, #tpu.memory_space<vmem>>, vector<1000x128xf32>,
    return
  }
  func.func @transform_0(%arg0: i32) -> (i32, i32) {
    %c0_i32 = arith.constant 0 : i32
    %c0_i32_0 = arith.constant 0 : i32
    return %arg0, %c0_i32 : i32, i32
  }
  func.func @transform_1(%arg0: i32) -> (i32, i32) {
    %c0_i32 = arith.constant 0 : i32
    %c0_i32_0 = arith.constant 0 : i32
    return %arg0, %c0_i32 : i32, i32
  }
  func.func @transform_2(%arg0: i32) -> (i32, i32) {
    %c0_i32 = arith.constant 0 : i32
    %c0_i32_0 = arith.constant 0 : i32
    return %arg0, %c0_i32 : i32, i32
  }
  func.func @transform_3(%arg0: i32) -> (i32, i32) {
    %c0_i32 = arith.constant 0 : i32
    %c0_i32_0 = arith.constant 0 : i32
    return %arg0, %c0_i32 : i32, i32
  }
  func.func @transform_4(%arg0: i32) -> (i32, i32) {
    %c0_i32 = arith.constant 0 : i32
    %c0_i32_0 = arith.constant 0 : i32
    return %arg0, %c0_i32 : i32, i32
  }
  func.func @transform_5(%arg0: i32) -> (i32, i32) {
    %c0_i32 = arith.constant 0 : i32
    %c0_i32_0 = arith.constant 0 : i32
    %c0_i32_1 = arith.constant 0 : i32
    return %c0_i32, %c0_i32_0 : i32, i32
  }
  func.func @transform_6(%arg0: i32) -> (i32, i32) {
    %c0_i32 = arith.constant 0 : i32
    %c0_i32_0 = arith.constant 0 : i32
    %c0_i32_1 = arith.constant 0 : i32
    return %c0_i32, %c0_i32_0 : i32, i32
  }
  func.func @transform_7(%arg0: i32) -> (i32, i32) {
    %c0_i32 = arith.constant 0 : i32
    %c0_i32_0 = arith.constant 0 : i32
    %c0_i32_1 = arith.constant 0 : i32
    return %c0_i32, %c0_i32_0 : i32, i32
  }
  func.func @transform_8(%arg0: i32) -> (i32, i32) {
    %c0_i32 = arith.constant 0 : i32
    %c0_i32_0 = arith.constant 0 : i32
    return %arg0, %c0_i32 : i32, i32
  }
  func.func @transform_9(%arg0: i32) -> (i32, i32) {
    %c0_i32 = arith.constant 0 : i32
    %c0_i32_0 = arith.constant 0 : i32
    return %arg0, %c0_i32 : i32, i32
  }
}

module attributes {stable_mosaic.version = 14 : i64} {
  func.func @_post_body(%arg0: i32, %arg1: memref<1000x128xf32, #tpu.memory_space<vmem>>, %arg2: memref<1000x128xf32, #tpu.memory_space<vmem>>, %arg3: memref<1000x128xf32, #tpu.memory_space<vmem>>, %arg4: memref<1000x128xf32, #tpu.memory_space<vmem>>, %arg5: memref<1000x128xf32, #tpu.memory_space<vmem>>, %arg6: memref<1000x128xf32, #tpu.memory_space<vmem>>) attributes {dimension_semantics = [#tpu.dimension_semantics<arbitrary>], iteration_bounds = array<i64: 10>, scalar_prefetch = 0 : i64, scratch_operands = 0 : i64, tpu.core_type = #tpu.core_type<tc>, window_params = [{transform_indices = @transform_0, window_bounds = array<i64: 1000, 128>}, {transform_indices = @transform_1, window_bounds = array<i64: 1000, 128>}, {transform_indices = @transform_2, window_bounds = array<i64: 1000, 128>}, {transform_indices = @transform_3, window_bounds = array<i64: 1000, 128>}, {transform_indices = @transform_4, window_bounds = array<i64: 1000, 128>}, {transform_indices = @transform_5, window_bounds = array<i64: 1000, 128>}]} {
    %get3A = arith.constant 0 : index
    %get3A_0 = arith.constant 0 : index
    %get3A_1 = vector.load %arg3[%get3A, %get3A_0] : memref<1000x128xf32, #tpu.memory_space<vmem>>, vector<1000x128xf32>
    %slice3A = vector.extract_strided_slice %get3A_1 {offsets = [0, 0], sizes = [1000, 1], strides = [1, 1]} : vector<1000x128xf32> to vector<1000x1xf32>
    %get3A_2 = arith.constant 0 : index
    %get3A_3 = arith.constant 0 : index
    %get3A_4 = vector.load %arg4[%get3A_2, %get3A_3] : memref<1000x128xf32, #tpu.memory_space<vmem>>, vector<1000x128xf32>
    %slice3A_5 = vector.extract_strided_slice %get3A_4 {offsets = [0, 0], sizes = [1000, 1], strides = [1, 1]} : vector<1000x128xf32> to vector<1000x1xf32>
    %add3A = arith.addf %slice3A, %slice3A_5 : vector<1000x1xf32>
    %max3A = arith.constant 1.000000e+00 : f32
    %max3A_6 = vector.broadcast %max3A : f32 to vector<1000x1xf32>
    %max3A_7 = arith.maximumf %add3A, %max3A_6 : vector<1000x1xf32>
    %get3A_8 = arith.constant 0 : index
    %get3A_9 = arith.constant 0 : index
    %get3A_10 = vector.load %arg1[%get3A_8, %get3A_9] : memref<1000x128xf32, #tpu.memory_space<vmem>>, vector<1000x128xf32>
    %get3A_11 = arith.constant 0 : index
    %get3A_12 = arith.constant 0 : index
    %get3A_13 = vector.load %arg2[%get3A_11, %get3A_12] : memref<1000x128xf32, #tpu.memory_space<vmem>>, vector<1000x128xf32>
    %add3A_14 = arith.addf %get3A_10, %get3A_13 : vector<1000x128xf32>
    %div3A = vector.broadcast %max3A_7 : vector<1000x1xf32> to vector<1000x128xf32>
    %div3A_15 = arith.divf %add3A_14, %div3A : vector<1000x128xf32>
    %get3A_16 = arith.constant 0 : index
    %get3A_17 = arith.constant 0 : index
    %get3A_18 = vector.load %arg5[%get3A_16, %get3A_17] : memref<1000x128xf32, #tpu.memory_space<vmem>>, vector<1000x128xf32>
    %add3A_19 = arith.addf %div3A_15, %get3A_18 : vector<1000x128xf32>
    %max3A_20 = arith.constant 0.000000e+00 : f32
    %max3A_21 = vector.broadcast %max3A_20 : f32 to vector<1000x128xf32>
    %max3A_22 = arith.maximumf %add3A_19, %max3A_21 : vector<1000x128xf32>
    %swap3A = arith.constant 0 : index
    %swap3A_23 = arith.constant 0 : index
    %swap3A_24 = vector.load %arg6[%swap3A, %swap3A_23] : memref<1000x128xf32, #tpu.memory_space<vmem>>, vector<1000x128xf32>
    tpu.vector_store %arg6[%swap3A, %swap3A_23], %max3A_22 {strides = array<i32>} : memref<1000x128xf32, #tpu.memory_space<vmem>>, vector<1000x128xf32>,
    return
  }
  func.func @transform_0(%arg0: i32) -> (i32, i32) {
    %c0_i32 = arith.constant 0 : i32
    %c0_i32_0 = arith.constant 0 : i32
    return %arg0, %c0_i32 : i32, i32
  }
  func.func @transform_1(%arg0: i32) -> (i32, i32) {
    %c0_i32 = arith.constant 0 : i32
    %c0_i32_0 = arith.constant 0 : i32
    return %arg0, %c0_i32 : i32, i32
  }
  func.func @transform_2(%arg0: i32) -> (i32, i32) {
    %c0_i32 = arith.constant 0 : i32
    %c0_i32_0 = arith.constant 0 : i32
    return %arg0, %c0_i32 : i32, i32
  }
  func.func @transform_3(%arg0: i32) -> (i32, i32) {
    %c0_i32 = arith.constant 0 : i32
    %c0_i32_0 = arith.constant 0 : i32
    return %arg0, %c0_i32 : i32, i32
  }
  func.func @transform_4(%arg0: i32) -> (i32, i32) {
    %c0_i32 = arith.constant 0 : i32
    %c0_i32_0 = arith.constant 0 : i32
    return %arg0, %c0_i32 : i32, i32
  }
  func.func @transform_5(%arg0: i32) -> (i32, i32) {
    %c0_i32 = arith.constant 0 : i32
    %c0_i32_0 = arith.constant 0 : i32
    return %arg0, %c0_i32 : i32, i32
  }
}

module attributes {stable_mosaic.version = 14 : i64} {
  func.func @_fin2_body(%arg0: i32, %arg1: memref<512x128xf32, #tpu.memory_space<vmem>>, %arg2: memref<512x128xf32, #tpu.memory_space<vmem>>, %arg3: memref<512x128xf32, #tpu.memory_space<vmem>>, %arg4: memref<512x128xf32, #tpu.memory_space<vmem>>, %arg5: memref<512x128xf32, #tpu.memory_space<vmem>>, %arg6: memref<128x64xf32, #tpu.memory_space<vmem>>, %arg7: memref<128x64xf32, #tpu.memory_space<vmem>>, %arg8: memref<1x64xf32, #tpu.memory_space<vmem>>, %arg9: memref<512x64xf32, #tpu.memory_space<vmem>>) attributes {dimension_semantics = [#tpu.dimension_semantics<arbitrary>], iteration_bounds = array<i64: 1>, scalar_prefetch = 0 : i64, scratch_operands = 0 : i64, tpu.core_type = #tpu.core_type<tc>, window_params = [{pipeline_mode = #tpu.pipeline_mode<synchronous>, transform_indices = @transform_0, window_bounds = array<i64: 512, 128>}, {pipeline_mode = #tpu.pipeline_mode<synchronous>, transform_indices = @transform_1, window_bounds = array<i64: 512, 128>}, {pipeline_mode = #tpu.pipeline_mode<synchronous>, transform_indices = @transform_2, window_bounds = array<i64: 512, 128>}, {pipeline_mode = #tpu.pipeline_mode<synchronous>, transform_indices = @transform_3, window_bounds = array<i64: 512, 128>}, {pipeline_mode = #tpu.pipeline_mode<synchronous>, transform_indices = @transform_4, window_bounds = array<i64: 512, 128>}, {pipeline_mode = #tpu.pipeline_mode<synchronous>, transform_indices = @transform_5, window_bounds = array<i64: 128, 64>}, {pipeline_mode = #tpu.pipeline_mode<synchronous>, transform_indices = @transform_6, window_bounds = array<i64: 128, 64>}, {pipeline_mode = #tpu.pipeline_mode<synchronous>, transform_indices = @transform_7, window_bounds = array<i64: 1, 64>}, {pipeline_mode = #tpu.pipeline_mode<synchronous>, transform_indices = @transform_8, window_bounds = array<i64: 512, 64>}]} {
    %get3A = arith.constant 0 : index
    %get3A_0 = arith.constant 0 : index
    %get3A_1 = vector.load %arg3[%get3A, %get3A_0] : memref<512x128xf32, #tpu.memory_space<vmem>>, vector<512x128xf32>
    %slice3A = vector.extract_strided_slice %get3A_1 {offsets = [0, 0], sizes = [512, 1], strides = [1, 1]} : vector<512x128xf32> to vector<512x1xf32>
    %get3A_2 = arith.constant 0 : index
    %get3A_3 = arith.constant 0 : index
    %get3A_4 = vector.load %arg4[%get3A_2, %get3A_3] : memref<512x128xf32, #tpu.memory_space<vmem>>, vector<512x128xf32>
    %slice3A_5 = vector.extract_strided_slice %get3A_4 {offsets = [0, 0], sizes = [512, 1], strides = [1, 1]} : vector<512x128xf32> to vector<512x1xf32>
    %add3A = arith.addf %slice3A, %slice3A_5 : vector<512x1xf32>
    %max3A = arith.constant 1.000000e+00 : f32
    %max3A_6 = vector.broadcast %max3A : f32 to vector<512x1xf32>
    %max3A_7 = arith.maximumf %add3A, %max3A_6 : vector<512x1xf32>
    %get3A_8 = arith.constant 0 : index
    %get3A_9 = arith.constant 0 : index
    %get3A_10 = vector.load %arg1[%get3A_8, %get3A_9] : memref<512x128xf32, #tpu.memory_space<vmem>>, vector<512x128xf32>
    %get3A_11 = arith.constant 0 : index
    %get3A_12 = arith.constant 0 : index
    %get3A_13 = vector.load %arg2[%get3A_11, %get3A_12] : memref<512x128xf32, #tpu.memory_space<vmem>>, vector<512x128xf32>
    %add3A_14 = arith.addf %get3A_10, %get3A_13 : vector<512x128xf32>
    %div3A = vector.broadcast %max3A_7 : vector<512x1xf32> to vector<512x128xf32>
    %div3A_15 = arith.divf %add3A_14, %div3A : vector<512x128xf32>
    %get3A_16 = arith.constant 0 : index
    %get3A_17 = arith.constant 0 : index
    %get3A_18 = vector.load %arg5[%get3A_16, %get3A_17] : memref<512x128xf32, #tpu.memory_space<vmem>>, vector<512x128xf32>
    %get3A_19 = arith.constant 0 : index
    %get3A_20 = arith.constant 0 : index
    %get3A_21 = vector.load %arg6[%get3A_19, %get3A_20] : memref<128x64xf32, #tpu.memory_space<vmem>>, vector<128x64xf32>
    %dot_general3A = arith.constant dense<0.000000e+00> : vector<512x64xf32>
    %dot_general3A_22 = tpu.matmul %get3A_18, %get3A_21, %dot_general3A {dimension_numbers = #tpu.dot_dimension_numbers<[1], [0], [0], [1], [0, 0, 1, 1], [], []>, transpose_lhs_hint = false} : vector<512x128xf32>, vector<128x64xf32>, vector<512x64xf32> -> vector<512x64xf32>
    %get3A_23 = arith.constant 0 : index
    %get3A_24 = arith.constant 0 : index
    %get3A_25 = vector.load %arg7[%get3A_23, %get3A_24] : memref<128x64xf32, #tpu.memory_space<vmem>>, vector<128x64xf32>
    %dot_general3A_26 = arith.constant dense<0.000000e+00> : vector<512x64xf32>
    %dot_general3A_27 = tpu.matmul %div3A_15, %get3A_25, %dot_general3A_26 {dimension_numbers = #tpu.dot_dimension_numbers<[1], [0], [0], [1], [0, 0, 1, 1], [], []>, transpose_lhs_hint = false} : vector<512x128xf32>, vector<128x64xf32>, vector<512x64xf32> -> vector<512x64xf32>
    %add3A_28 = arith.addf %dot_general3A_22, %dot_general3A_27 : vector<512x64xf32>
    %get3A_29 = arith.constant 0 : index
    %get3A_30 = arith.constant 0 : index
    %get3A_31 = vector.load %arg8[%get3A_29, %get3A_30] : memref<1x64xf32, #tpu.memory_space<vmem>>, vector<1x64xf32>
    %add3A_32 = vector.broadcast %get3A_31 : vector<1x64xf32> to vector<512x64xf32>
    %add3A_33 = arith.addf %add3A_28, %add3A_32 : vector<512x64xf32>
    %reduce_max3A = arith.constant dense<0xFF800000> : vector<512xf32>
    %reduce_max3A_34 = vector.multi_reduction <maximumf>, %add3A_33, %reduce_max3A [1] : vector<512x64xf32> to vector<512xf32>
    %broadcast_in_dim3A = vector.shape_cast %reduce_max3A_34 : vector<512xf32> to vector<512x1xf32>
    %sub3A = vector.broadcast %broadcast_in_dim3A : vector<512x1xf32> to vector<512x64xf32>
    %sub3A_35 = arith.subf %add3A_33, %sub3A : vector<512x64xf32>
    %exp3A = math.exp %sub3A_35 : vector<512x64xf32>
    %reduce_sum3A = arith.constant dense<0.000000e+00> : vector<512xf32>
    %reduce_sum3A_36 = vector.multi_reduction <add>, %exp3A, %reduce_sum3A [1] : vector<512x64xf32> to vector<512xf32>
    %broadcast_in_dim3A_37 = vector.shape_cast %reduce_sum3A_36 : vector<512xf32> to vector<512x1xf32>
    %log3A = math.log %broadcast_in_dim3A_37 : vector<512x1xf32>
    %sub3A_38 = vector.broadcast %log3A : vector<512x1xf32> to vector<512x64xf32>
    %sub3A_39 = arith.subf %sub3A_35, %sub3A_38 : vector<512x64xf32>
    %swap3A = arith.constant 0 : index
    %swap3A_40 = arith.constant 0 : index
    %swap3A_41 = vector.load %arg9[%swap3A, %swap3A_40] : memref<512x64xf32, #tpu.memory_space<vmem>>, vector<512x64xf32>
    tpu.vector_store %arg9[%swap3A, %swap3A_40], %sub3A_39 {strides = array<i32>} : memref<512x64xf32, #tpu.memory_space<vmem>>, vector<512x64xf32>,
    return
  }
  func.func @transform_0(%arg0: i32) -> (i32, i32) {
    %c0_i32 = arith.constant 0 : i32
    %c0_i32_0 = arith.constant 0 : i32
    %c0_i32_1 = arith.constant 0 : i32
    return %c0_i32, %c0_i32_0 : i32, i32
  }
  func.func @transform_1(%arg0: i32) -> (i32, i32) {
    %c0_i32 = arith.constant 0 : i32
    %c0_i32_0 = arith.constant 0 : i32
    %c0_i32_1 = arith.constant 0 : i32
    return %c0_i32, %c0_i32_0 : i32, i32
  }
  func.func @transform_2(%arg0: i32) -> (i32, i32) {
    %c0_i32 = arith.constant 0 : i32
    %c0_i32_0 = arith.constant 0 : i32
    %c0_i32_1 = arith.constant 0 : i32
    return %c0_i32, %c0_i32_0 : i32, i32
  }
  func.func @transform_3(%arg0: i32) -> (i32, i32) {
    %c0_i32 = arith.constant 0 : i32
    %c0_i32_0 = arith.constant 0 : i32
    %c0_i32_1 = arith.constant 0 : i32
    return %c0_i32, %c0_i32_0 : i32, i32
  }
  func.func @transform_4(%arg0: i32) -> (i32, i32) {
    %c0_i32 = arith.constant 0 : i32
    %c0_i32_0 = arith.constant 0 : i32
    %c0_i32_1 = arith.constant 0 : i32
    return %c0_i32, %c0_i32_0 : i32, i32
  }
  func.func @transform_5(%arg0: i32) -> (i32, i32) {
    %c0_i32 = arith.constant 0 : i32
    %c0_i32_0 = arith.constant 0 : i32
    %c0_i32_1 = arith.constant 0 : i32
    return %c0_i32, %c0_i32_0 : i32, i32
  }
  func.func @transform_6(%arg0: i32) -> (i32, i32) {
    %c0_i32 = arith.constant 0 : i32
    %c0_i32_0 = arith.constant 0 : i32
    %c0_i32_1 = arith.constant 0 : i32
    return %c0_i32, %c0_i32_0 : i32, i32
  }
  func.func @transform_7(%arg0: i32) -> (i32, i32) {
    %c0_i32 = arith.constant 0 : i32
    %c0_i32_0 = arith.constant 0 : i32
    %c0_i32_1 = arith.constant 0 : i32
    return %c0_i32, %c0_i32_0 : i32, i32
  }
  func.func @transform_8(%arg0: i32) -> (i32, i32) {
    %c0_i32 = arith.constant 0 : i32
    %c0_i32_0 = arith.constant 0 : i32
    %c0_i32_1 = arith.constant 0 : i32
    return %c0_i32, %c0_i32_0 : i32, i32
  }
}

</mosaic_0001>

<sc_bundles>
// kernel: kernel.12.cloned.1.call-start
scs
__scs_entry_jumppad:
0x0: {  	(pc) =	sbr.rel $0x88, $3  }
0x1: {  	(tag) =	ssettag $0x0;
	lr =	simm.s32 $0x1  }
0x2: {  	[smem:$0x3F95] =	sst lr;
	_ =	strace $0xD0000000  }
0x3: {  	_ = 	snop  }
0x4: {  	_ = 	snop  }
0x5: {  	_ = 	snop  }
0x6: {  	_ = 	snop  }
0x7: {  	_ = 	snop  }
__scs_overlays_trampoline_lowered:
0x8: {  	[smem:$0x3FA4] =	sst s0  }
0x9: {  	[smem:$0x3FA5] =	sst s1  }
0xa: {  	[smem:$0x3FA6] =	sst s2  }
0xb: {  	[smem:$0x3FA7] =	sst s3  }
0xc: {  	[smem:$0x3FA8] =	sst s4  }
0xd: {  	[smem:$0x3FA9] =	sst s5  }
0xe: {  	[smem:$0x3FAA] =	sst s6  }
0xf: {  	[smem:$0x3FAB] =	sst s7  }
0x10: {  	[smem:$0x3FAC] =	sst s8  }
0x11: {  	[smem:$0x3FAD] =	sst s9;
	s0 =	simm.s32 @!p0 $0x0  }
0x12: {  	s1 =	sld [smem:$0x3F93];
	s0 =	simm.s32 @p0 $0x1  }
0x13: {  	[smem:$0x3FAE] =	sst s0;
	s0 =	simm.s32 @!p1 $0x0  }
0x14: {  	s2 =	sld [smem:$0x3F92];
	s0 =	simm.s32 @p1 $0x1  }
0x15: {  	[smem:$0x3FAF] =	sst s0;
	s0 =	simm.s32 @!p2 $0x0  }
0x16: {  	s3 =	sld [smem:$0x3FDB];
	s0 =	simm.s32 @p2 $0x1  }
0x17: {  	s4 =	simm.s32 $0x1BF5;
	[smem:$0x3FB1] =	sst s0  }
0x18: {  	s0 =	sld [smem:$0x3F94];
	_ =	swait.ge [sflag:s4], $0x0  }
0x19: {  	s7 =	sld [smem:$0x3F95]  }
0x1a: {  	s8 =	sadd.s32 $0xFFFFE003, lr  }
0x1b: {  	s9 =	sadd.s32 $0xFFFFFEF7, lr;
	s5 =	simm.s32 $0xFFFFFFFF;
	p2 =	slt.u32 s8, $0xFFFFF086  }
0x1c: {  	p1 =	slt.u32 s9, $0xF7A;
	s5 =	simm.s32 @!p2 $0x0  }
0x1d: {  	s5 =	simm.s32 @p1 $0x1;
	p0 =	seq.s32 s7, s2  }
0x1e: {  	s7 =	smul.u32 @!p0 $0xF7A, s2;
	p2 =	seq.s32 @!p0 s5, $0x0  }
0x1f: {  	s9 =	smul.u32 $0xF7A, s1;
	s8 =	simm.s32 @!p0 $0x1BF5;
	p2 =	por !p2, p0  }
0x20: {  	[sflag:s8] =	ssyncset.s32 @!p0 $0xFFFFF086;
	s6 =	sadd.s32 @!p0 s3, s7;
	s7 =	simm.s32 @!p0 $0x108  }
0x21: {  	s3 =	sadd.s32 s3, s9;
	s6 =	sadd.s32 @!p0 $0x88, s6;
	s7 =	simm.s32 @p2 $0x1082  }
0x22: {  	[simem:s7], [sflag:s8] =	dma.local @!p0 [hbm:s6], $0xF7A  }
0x23: {  	s9 =	sor.u32 $0xD0000000, s2;
	s6 =	simm.s32 $0x108;
	_ =	swait.ge @!p0 [sflag:s8], $0x0  }
0x24: {  	s3 =	sadd.s32 $0x88, s3;
	s6 =	simm.s32 @!p1 $0x1082;
	[sflag:s4] =	ssyncset.s32 $0xFFFFF086  }
0x25: {  	[simem:s6], [sflag:s4] =	dma.local [hbm:s3], $0xF7A  }
0x26: {  	[smem:$0x3F95] =	sst s1;
	(tag) =	ssettag s2;
	_ =	strace s9  }
0x27: {  	s1 =	sld [smem:$0x3FA5]  }
0x28: {  	s2 =	sld [smem:$0x3FA6]  }
0x29: {  	s4 =	sld [smem:$0x3FA8]  }
0x2a: {  	p0 =	seq.s32 s5, $0x0;
	s5 =	sld [smem:$0x3FA9]  }
0x2b: {  	s6 =	sld [smem:$0x3FAA]  }
0x2c: {  	s7 =	sld [smem:$0x3FAB]  }
0x2d: {  	s3 =	simm.s32 $0x108;
	s8 =	sld [smem:$0x3FAC]  }
0x2e: {  	s3 =	simm.s32 @!p0 $0x1082;
	s9 =	sld [smem:$0x3FAD]  }
0x2f: {  	lr =	sadd.s32 s0, s3;
	s0 =	sld [smem:$0x3FA4]  }
0x30: {  	s3 =	sld [smem:$0x3FA7]  }
0x31: {  	[smem:$0x3FB0] =	sst s10  }
0x32: {  	s10 =	sld [smem:$0x3FAE];
	_ =	sdelay $0x3  }
0x33: {  	p0 =	seq.s32 s10, $0x1;
	s10 =	sld [smem:$0x3FB0];
	_ =	sdelay $0x3  }
0x34: {  	[smem:$0x3FB0] =	sst s10  }
0x35: {  	s10 =	sld [smem:$0x3FAF];
	_ =	sdelay $0x3  }
0x36: {  	p1 =	seq.s32 s10, $0x1;
	s10 =	sld [smem:$0x3FB0];
	_ =	sdelay $0x3  }
0x37: {  	[smem:$0x3FB0] =	sst s10  }
0x38: {  	s10 =	sld [smem:$0x3FB1]  }
0x39: {  	_ = 	snop;
	(pc) =	sbr.ind lr, $3  }
0x3a: {  	_ = 	snop  }
0x3b: {  	_ = 	snop  }
0x3c: {  	p2 =	seq.s32 s10, $0x1;
	s10 =	sld [smem:$0x3FB0]  }
0x3d: {  	_ =	shalt  }
0x3e: {  	_ =	shalt  }
0x3f: {  	_ =	shalt  }
0x40: {  	_ =	shalt  }
0x41: {  	_ =	shalt  }
0x42: {  	_ =	shalt  }
0x43: {  	_ =	shalt  }
0x44: {  	_ =	shalt  }
0x45: {  	_ =	shalt  }
0x46: {  	_ =	shalt  }
0x47: {  	_ =	shalt  }
0x48: {  	_ =	shalt  }
0x49: {  	_ =	shalt  }
0x4a: {  	_ =	shalt  }
0x4b: {  	_ =	shalt  }
0x4c: {  	_ =	shalt  }
0x4d: {  	_ =	shalt  }
0x4e: {  	_ =	shalt  }
0x4f: {  	_ =	shalt  }
0x50: {  	_ =	shalt  }
0x51: {  	_ =	shalt  }
0x52: {  	_ =	shalt  }
0x53: {  	_ =	shalt  }
0x54: {  	_ =	shalt  }
0x55: {  	_ =	shalt  }
0x56: {  	_ =	shalt  }
0x57: {  	_ =	shalt  }
0x58: {  	_ =	shalt  }
0x59: {  	_ =	shalt  }
0x5a: {  	_ =	shalt  }
0x5b: {  	_ =	shalt  }
0x5c: {  	_ =	shalt  }
0x5d: {  	_ =	shalt  }
0x5e: {  	_ =	shalt  }
0x5f: {  	_ =	shalt  }
0x60: {  	_ =	shalt  }
0x61: {  	_ =	shalt  }
0x62: {  	_ =	shalt  }
0x63: {  	_ =	shalt  }
0x64: {  	_ =	shalt  }
0x65: {  	_ =	shalt  }
0x66: {  	_ =	shalt  }
0x67: {  	_ =	shalt  }
0x68: {  	_ =	shalt  }
0x69: {  	_ =	shalt  }
0x6a: {  	_ =	shalt  }
0x6b: {  	_ =	shalt  }
0x6c: {  	_ =	shalt  }
0x6d: {  	_ =	shalt  }
0x6e: {  	_ =	shalt  }
0x6f: {  	_ =	shalt  }
0x70: {  	_ =	shalt  }
0x71: {  	_ =	shalt  }
0x72: {  	_ =	shalt  }
0x73: {  	_ =	shalt  }
0x74: {  	_ =	shalt  }
0x75: {  	_ =	shalt  }
0x76: {  	_ =	shalt  }
0x77: {  	_ =	shalt  }
0x78: {  	_ =	shalt  }
0x79: {  	_ =	shalt  }
0x7a: {  	_ =	shalt  }
0x7b: {  	_ =	shalt  }
0x7c: {  	_ =	shalt  }
0x7d: {  	_ =	shalt  }
0x7e: {  	_ =	shalt  }
0x7f: {  	_ =	shalt  }
0x80: {  	_ =	shalt  }
0x81: {  	_ =	shalt  }
0x82: {  	_ =	shalt  }
0x83: {  	_ =	shalt  }
0x84: {  	_ =	shalt  }
0x85: {  	_ =	shalt  }
0x86: {  	_ =	shalt  }
0x87: {  	_ =	shalt  }
.Lfunc_end0:
.L_simem_size_0:
called_computation.1_lowered:
.L_overlay_start_0:
0x88: {  	s2 =	sld [smem:$0x3FD9]  }
0x89: {  	s3 =	sld [smem:$0x3FFE];
	_ =	sdelay $0x1  }
0x8a: {  	s1 =	srdreg.scid  }
0x8b: {  	s0 =	sand.u32 $0x1, s1  }
0x8c: {  	s16 =	sshll.u32 s0, $0xA;
	s2 =	sadd.s32 s3, s2  }
0x8d: {  	s2 =	sadd.s32 s2, s16  }
0x8e: {  	[smem:$0x3FBC] =	sst s2  }
0x8f: {  	_ = 	snop  }
0x90: {  	(tm) =	ssettm $0x1  }
0x91: {  	s17 =	sld [smem:$0x3FFB];
	_ =	sdelay $0x3  }
0x92: {  	_ =	strace s17  }
0x93: {  	s2 =	sld [smem:$0x3FFC];
	_ =	sdelay $0x3  }
0x94: {  	_ =	strace s2  }
0x95: {  	s2 =	sld [smem:$0x3FFD];
	_ =	sdelay $0x3  }
0x96: {  	_ =	strace s2  }
0x97: {  	_ =	strace $0x8FFFFFFF  }
0x98: {  	s18 =	sld [smem:$0x3FDB];
	_ =	sdelay $0x1  }
0x99: {  	s19 =	simm.s32 $_scs_section_size  }
0x9a: {  	s4 =	simm.s32 $_size__tile_overlayer_lowered;
	s5 =	simm.s32 $_tile_overlayer_lowered  }
0x9b: {  	s22 =	simm.s32 $0x1BFF;
	s21 =	sshll.u32 s5, $0x1;
	s2 =	sadd.s32 s19, s18  }
0x9c: {  	s6 =	simm.s32 $0x0;
	s20 =	sshll.u32 s4, $0x1;
	s4 =	sadd.s32 s21, s2  }
0x9d: {  	[timem:s6], [sflag:s22] =	dma.local [hbm:s4], s20  }
0x9e: {  	_ =	swait.ge [sflag:s22], s20  }
0x9f: {  	s3 =	ssub.s32 $0x0, s20;
	[sflag:s22] =	ssyncset.done $0x0  }
0xa0: {  	[sflag:s22] =	ssyncadd.s32 s3;
	_ =	sdelay $0x1  }
0xa1: {  	s23 =	simm.s32 $0x1B8B  }
0xa2: {  	_ =	swait.ge [sflag:s23], $0x1  }
0xa3: {  	[sflag:s23] =	ssyncset.done $0x0  }
0xa4: {  	s25 =	simm.s32 $0x1B8E;
	s24 =	sld [smem:$0x3FFE];
	[sflag:s23] =	ssyncadd.s32 $0xFFFFFFFF  }
0xa5: {  	s26 =	simm.s32 $execute0_lowered;
	[smem:$0x3FD2] =	sst s25  }
0xa6: {  	s4 =	sshll.u32 s26, $0x1;
	_ =	strace $0x80000049;
	[dreg:$0x1] =	wrdreg $0xFFFFFFFF  }
0xa7: {  	s28 =	simm.s32 $_size_execute0_lowered;
	s2 =	sadd.s32 s2, s4;
	[dreg:$0x0] =	wrdreg $0x0  }
0xa8: {  	s4 =	sshll.u32 s28, $0x1;
	[dreg:$0x2] =	wrdreg s2  }
0xa9: {  	[dreg:$0x3] =	wrdreg s4  }
0xaa: {  	[dreg:$0x4] =	wrdreg $0xC0  }
0xab: {  	_ =	task [dreg:s6], $0x5FFFF  }
0xac: {  	[dreg:$0x1] =	wrdreg $0xFFFFFFFF  }
0xad: {  	[dreg:$0x0] =	wrdreg $0x60  }
0xae: {  	[dreg:$0x2] =	wrdreg s24  }
0xaf: {  	[dreg:$0x3] =	wrdreg $0x41000  }
0xb0: {  	[dreg:$0x4] =	wrdreg $0x9  }
0xb1: {  	_ =	task.clear_ibuf [dreg:s6], $0x5FFFF;
	_ =	strace $0x90000049  }
0xb2: {  	s29 =	simm.s32 $0x9;
	_ =	strace $0x8000004B  }
0xb3: {  	_ =	swait.ge [sflag:s29], $0x1  }
0xb4: {  	[sflag:s29] =	ssyncadd.s32 $0xFFFFFFFF  }
0xb5: {  	_ =	strace $0x9000004B  }
0xb6: {  	_ =	sfence  }
0xb7: {  	s30 =	sld [smem:$0x0];
	_ =	sdelay $0x2  }
0xb8: {  	s31 =	sshll.u32 s1, $0xD;
	s1 =	sshrl.u32 s1, $0x2  }
0xb9: {  	s3 =	sand.u32 $0x4000, s31;
	s1 =	sadd.s32 s1, s30  }
0xba: {  	s0 =	sor.u32 s3, s0;
	s1 =	sshll.u32 s1, $0x11  }
0xbb: {  	s0 =	sor.u32 s1, s0  }
0xbc: {  	s0 =	sadd.s32 $0x8F2B, s0  }
0xbd: {  	[sflag:s0] =	ssyncadd.remote.s32 $0x1  }
0xbe: {  	_ =	sfence.sel $0xFFFF  }
0xbf: {  	[dreg:$0x0] =	wrdreg $0xFFFFFFFF;
	(pc) =	sbr.abs _section_cstart, $3  }
0xc0: {  	[dreg:$0x1] =	wrdreg $0xFFFFFFFF  }
0xc1: {  	_ =	task.clear_ibuf [dreg:s6], $0x2FFFF;
	_ =	strace $0x9FFFFFFF  }
0xc2: {  	(tm) =	ssettm $0x7FFFFFFF  }
0xc3: {  	_ =	shalt  }
tec
execute0_lowered:
.L_overlay_start_1:
0x0: {  	(tag) =	ssettag $0x1  }
0x1: {  	s5 =	rddreg [dreg:$0x0]  }
0x2: {  	s2 =	rddreg [dreg:$0x1]  }
0x3: {  	s0 =	rddreg [dreg:$0x2]  }
0x4: {  	s1 =	stileid.u32;
	s4 =	srdreg.scid  }
0x5: {  	s3 =	simm.s32 $0x0;
	s13 =	simm.s32 $0x80;
	s6 =	smul.u32 $0x43, s1  }
0x6: {  	s14 =	simm.s32 $0x100;
	s7 =	sand.u32 $0x1, s4;
	s4 =	smul.u32 $0x5A, s1  }
0x7: {  	s15 =	simm.s32 $0x1;
	s16 =	simm.s32 $0x0;
	s8 =	smul.u32 $0x13C00, s1  }
0x8: {  	[smem:$0x7FF] =	sst s3;
	s11 =	smul.u32 $0x4F000, s1;
	s31 =	sshll.u32 s1, $0x6  }
0x9: {  	p0 =	seq.s32 s7, $0x0;
	_ =	strace $0x8000004A;
	s9 =	smul.u32 $0x13C000, s7  }
0xa: {  	s7 =	ssub.s32 $0x2, s7;
	s6 =	sadd.s32 $0x5A0, s6;
	s28 =	sshrl.u32 s8, $0x3  }
0xb: {  	s29 =	sshrl.u32 s7, $0x1;
	s30 =	sshrl.u32 s11, $0x2;
	s6 =	smov.u32 @p0 s4  }
0xc: {  	s4 =	sadd.s32 $0x3F600, s5;
	s8 =	sadd.s32 s8, s9;
	s9 =	ssub.s32 s7, s29  }
0xd: {  	s12 =	sadd.s32 s30, s2;
	s7 =	sor.u32 $0x1C02, s31;
	s6 =	sshll.u32 s6, $0x5  }
0xe: {  	s8 =	sshrl.u32 s8, $0x3;
	s9 =	smax.u32 s9, $0x1;
	s10 =	sadd.s32 s6, s5  }
0xf: {  	s6 =	sadd.s32 s28, s5;
	s8 =	sadd.s32 s8, s5;
	s5 =	simm.s32 $0x5A  }
0x10: {  	s11 =	sshrl.u32 s12, $0x3;
	s12 =	simm.s32 $0x2;
	s5 =	simm.s32 @!p0 $0x43  }
0x11: {  	s6 =	sadd.s32 $0x66800, s6;
	s8 =	sadd.s32 $0xB5A00, s8;
	s10 =	sadd.s32 $0x4A00, s10  }
.LBB2_1:
0x12: {  	[spmem:s11], [sflag:s7] =	dma.local [hbm:s6], $0x2780  }
0x13: {  	_ =	swait.ge [sflag:s12], $0x2780  }
0x14: {  	[sflag:s12] =	ssyncset.done $0x0  }
0x15: {  	[sflag:s12] =	ssyncadd.s32 $0xFFFFD880  }
0x16: {  	[bflag:$0x0] =	sbarrier.arrive $0xFFFF  }
0x17: {  	[tilespmem:s3], [sflag:$0x2] =	stream.linear.gather [hbm4b:s10+s3], $0x100, $0x38;
	[tilespmem:$0x17D00] =	vst v63  }
0x18: {  	_ =	swait.ge [sflag:s12], $0x100  }
0x19: {  	[sflag:s12] =	ssyncset.done $0x0  }
0x1a: {  	[sflag:s12] =	ssyncadd.s32 $0xFFFFFF00  }
0x1b: {  	[tilespmem:s14], [sflag:$0x1] =	stream.indirect.gather [hbm4b:s4+s13], $0x80, s3, s13, $0xb8;
	[tilespmem:$0x17D00] =	vst v63  }
0x1c: {  	p0 =	sne.s32 s5, $0x1;
	_ =	swait.ge [sflag:s15], $0x4000  }
.Ltmp0:
0x1d: {  	[sflag:s15] =	ssyncset.done $0x0;
	(pc) =	sbr.rel @!p0 .LBB2_3-.Ltmp0, $4  }
0x1e: {  	[sflag:s15] =	ssyncadd.s32 $0xFFFFC000  }
0x1f: {  	[spmem:s2] =	stream.indirect.scatter.add.f32 [tilespmem:s14], [sflag:$0x2], $0x80, s13, s13, $0xb8;
	[tilespmem:$0x17D00] =	vst v63  }
0x20: {  	_ =	swait.ge [sflag:s12], $0x4000  }
0x21: {  	s17 =	sadd.s32 $0xFFFFFFFF, s5;
	s18 =	smov.u32 s10;
	[sflag:s12] =	ssyncset.done $0x0  }
.LBB2_2:
0x22: {  	p0 =	sne.s32 s17, $0x1;
	[sflag:s12] =	ssyncadd.s32 $0xFFFFC000;
	s18 =	sadd.s32 $0x20, s18  }
0x23: {  	[tilespmem:s3], [sflag:$0x2] =	stream.linear.gather [hbm4b:s18+s3], $0x100, $0x38;
	[tilespmem:$0x17D00] =	vst v63  }
0x24: {  	s17 =	sadd.s32 $0xFFFFFFFF, s17;
	_ =	swait.ge [sflag:s12], $0x100  }
0x25: {  	[sflag:s12] =	ssyncset.done $0x0  }
0x26: {  	[sflag:s12] =	ssyncadd.s32 $0xFFFFFF00  }
0x27: {  	[tilespmem:s14], [sflag:$0x1] =	stream.indirect.gather [hbm4b:s4+s13], $0x80, s3, s13, $0xb8;
	[tilespmem:$0x17D00] =	vst v63  }
0x28: {  	_ =	swait.ge [sflag:s15], $0x4000  }
.Ltmp1:
0x29: {  	[sflag:s15] =	ssyncset.done $0x0;
	(pc) =	sbr.rel @p0 .LBB2_2-.Ltmp1, $4  }
0x2a: {  	[sflag:s15] =	ssyncadd.s32 $0xFFFFC000  }
0x2b: {  	[spmem:s2] =	stream.indirect.scatter.add.f32 [tilespmem:s14], [sflag:$0x2], $0x80, s13, s13, $0xb8;
	[tilespmem:$0x17D00] =	vst v63  }
0x2c: {  	_ =	swait.ge [sflag:s12], $0x4000  }
0x2d: {  	[sflag:s12] =	ssyncset.done $0x0  }
.LBB2_3:
0x2e: {  	s16 =	sadd.s32 $0x1, s16  }
0x2f: {  	[sflag:s12] =	ssyncadd.s32 $0xFFFFC000;
	p0 =	sne.s32 s16, s9  }
.Ltmp2:
0x30: {  	[bflag:$0x0] =	sbarrier.arrive $0xFFFF;
	(pc) =	sbr.rel @p0 .LBB2_1-.Ltmp2, $4  }
0x31: {  	[hbm:s8], [sflag:s7] =	dma.local [spmem:s11], $0x2780  }
0x32: {  	_ =	swait.ge [sflag:s12], $0x2780  }
0x33: {  	[sflag:s12] =	ssyncset.done $0x0  }
0x34: {  	[sflag:s12] =	ssyncadd.s32 $0xFFFFD880  }
0x35: {  	_ =	sfence.sel $0x180000  }
0x36: {  	[bflag:$0x0] =	sbarrier.arrive $0xFFFF  }
0x37: {  	p0 =	sne.s32 s1, $0x0;
	_ =	strace $0x9000004A  }
0x38: {  	s0 =	sadd.s32 @!p0 $0x100000, s0;
	[bflag:$0x2] =	sbarrier.arrive $0xFFFF  }
0x39: {  	[sflag:s0] =	ssyncadd.tile.s32 @!p0 $0x1;
	_ =	shalt  }
.Lfunc_end2:
_tile_overlayer_lowered:
.L_overlay_start_2:
0x3a: {  	(tag) =	ssettag $0x2  }
0x3b: {  	s0 =	rddreg [dreg:$0x0];
	s2 =	stileid.u32  }
0x3c: {  	s1 =	rddreg [dreg:$0x1];
	p0 =	sne.s32 s2, $0x0  }
0x3d: {  	s3 =	rddreg [dreg:$0x2];
	[bflag:$0x3] =	sbarrier.arrive $0xFFFF;
	s2 =	simm.s32 @!p0 $0x1C02  }
0x3e: {  	[timem:s3], [sflag:s2] =	dma.local @!p0 [hbm:s0], s1  }
0x3f: {  	s0 =	simm.s32 @!p0 $0x2  }
0x40: {  	_ =	swait.ge @!p0 [sflag:s0], s1  }
0x41: {  	s1 =	ssub.s32 @!p0 $0x0, s1;
	[sflag:s0] =	ssyncset.done @!p0 $0x0  }
0x42: {  	[sflag:s0] =	ssyncadd.s32 @!p0 s1  }
0x43: {  	[bflag:$0x3] =	sbarrier.arrive $0xFFFF  }
0x44: {  	_ =	shalt  }

// kernel: kernel.15.cloned.1.call-start
scs
__scs_entry_jumppad:
0x0: {  	(pc) =	sbr.rel $0x88, $3  }
0x1: {  	(tag) =	ssettag $0x0;
	lr =	simm.s32 $0x1  }
0x2: {  	[smem:$0x3F95] =	sst lr;
	_ =	strace $0xD0000000  }
0x3: {  	_ = 	snop  }
0x4: {  	_ = 	snop  }
0x5: {  	_ = 	snop  }
0x6: {  	_ = 	snop  }
0x7: {  	_ = 	snop  }
__scs_overlays_trampoline_lowered:
0x8: {  	[smem:$0x3FA4] =	sst s0  }
0x9: {  	[smem:$0x3FA5] =	sst s1  }
0xa: {  	[smem:$0x3FA6] =	sst s2  }
0xb: {  	[smem:$0x3FA7] =	sst s3  }
0xc: {  	[smem:$0x3FA8] =	sst s4  }
0xd: {  	[smem:$0x3FA9] =	sst s5  }
0xe: {  	[smem:$0x3FAA] =	sst s6  }
0xf: {  	[smem:$0x3FAB] =	sst s7  }
0x10: {  	[smem:$0x3FAC] =	sst s8  }
0x11: {  	[smem:$0x3FAD] =	sst s9;
	s0 =	simm.s32 @!p0 $0x0  }
0x12: {  	s1 =	sld [smem:$0x3F93];
	s0 =	simm.s32 @p0 $0x1  }
0x13: {  	[smem:$0x3FAE] =	sst s0;
	s0 =	simm.s32 @!p1 $0x0  }
0x14: {  	s2 =	sld [smem:$0x3F92];
	s0 =	simm.s32 @p1 $0x1  }
0x15: {  	[smem:$0x3FAF] =	sst s0;
	s0 =	simm.s32 @!p2 $0x0  }
0x16: {  	s3 =	sld [smem:$0x3FDB];
	s0 =	simm.s32 @p2 $0x1  }
0x17: {  	s4 =	simm.s32 $0x1BF5;
	[smem:$0x3FB1] =	sst s0  }
0x18: {  	s0 =	sld [smem:$0x3F94];
	_ =	swait.ge [sflag:s4], $0x0  }
0x19: {  	s7 =	sld [smem:$0x3F95]  }
0x1a: {  	s8 =	sadd.s32 $0xFFFFE003, lr  }
0x1b: {  	s9 =	sadd.s32 $0xFFFFFEF7, lr;
	s5 =	simm.s32 $0xFFFFFFFF;
	p2 =	slt.u32 s8, $0xFFFFF086  }
0x1c: {  	p1 =	slt.u32 s9, $0xF7A;
	s5 =	simm.s32 @!p2 $0x0  }
0x1d: {  	s5 =	simm.s32 @p1 $0x1;
	p0 =	seq.s32 s7, s2  }
0x1e: {  	s7 =	smul.u32 @!p0 $0xF7A, s2;
	p2 =	seq.s32 @!p0 s5, $0x0  }
0x1f: {  	s9 =	smul.u32 $0xF7A, s1;
	s8 =	simm.s32 @!p0 $0x1BF5;
	p2 =	por !p2, p0  }
0x20: {  	[sflag:s8] =	ssyncset.s32 @!p0 $0xFFFFF086;
	s6 =	sadd.s32 @!p0 s3, s7;
	s7 =	simm.s32 @!p0 $0x108  }
0x21: {  	s3 =	sadd.s32 s3, s9;
	s6 =	sadd.s32 @!p0 $0x88, s6;
	s7 =	simm.s32 @p2 $0x1082  }
0x22: {  	[simem:s7], [sflag:s8] =	dma.local @!p0 [hbm:s6], $0xF7A  }
0x23: {  	s9 =	sor.u32 $0xD0000000, s2;
	s6 =	simm.s32 $0x108;
	_ =	swait.ge @!p0 [sflag:s8], $0x0  }
0x24: {  	s3 =	sadd.s32 $0x88, s3;
	s6 =	simm.s32 @!p1 $0x1082;
	[sflag:s4] =	ssyncset.s32 $0xFFFFF086  }
0x25: {  	[simem:s6], [sflag:s4] =	dma.local [hbm:s3], $0xF7A  }
0x26: {  	[smem:$0x3F95] =	sst s1;
	(tag) =	ssettag s2;
	_ =	strace s9  }
0x27: {  	s1 =	sld [smem:$0x3FA5]  }
0x28: {  	s2 =	sld [smem:$0x3FA6]  }
0x29: {  	s4 =	sld [smem:$0x3FA8]  }
0x2a: {  	p0 =	seq.s32 s5, $0x0;
	s5 =	sld [smem:$0x3FA9]  }
0x2b: {  	s6 =	sld [smem:$0x3FAA]  }
0x2c: {  	s7 =	sld [smem:$0x3FAB]  }
0x2d: {  	s3 =	simm.s32 $0x108;
	s8 =	sld [smem:$0x3FAC]  }
0x2e: {  	s3 =	simm.s32 @!p0 $0x1082;
	s9 =	sld [smem:$0x3FAD]  }
0x2f: {  	lr =	sadd.s32 s0, s3;
	s0 =	sld [smem:$0x3FA4]  }
0x30: {  	s3 =	sld [smem:$0x3FA7]  }
0x31: {  	[smem:$0x3FB0] =	sst s10  }
0x32: {  	s10 =	sld [smem:$0x3FAE];
	_ =	sdelay $0x3  }
0x33: {  	p0 =	seq.s32 s10, $0x1;
	s10 =	sld [smem:$0x3FB0];
	_ =	sdelay $0x3  }
0x34: {  	[smem:$0x3FB0] =	sst s10  }
0x35: {  	s10 =	sld [smem:$0x3FAF];
	_ =	sdelay $0x3  }
0x36: {  	p1 =	seq.s32 s10, $0x1;
	s10 =	sld [smem:$0x3FB0];
	_ =	sdelay $0x3  }
0x37: {  	[smem:$0x3FB0] =	sst s10  }
0x38: {  	s10 =	sld [smem:$0x3FB1]  }
0x39: {  	_ = 	snop;
	(pc) =	sbr.ind lr, $3  }
0x3a: {  	_ = 	snop  }
0x3b: {  	_ = 	snop  }
0x3c: {  	p2 =	seq.s32 s10, $0x1;
	s10 =	sld [smem:$0x3FB0]  }
0x3d: {  	_ =	shalt  }
0x3e: {  	_ =	shalt  }
0x3f: {  	_ =	shalt  }
0x40: {  	_ =	shalt  }
0x41: {  	_ =	shalt  }
0x42: {  	_ =	shalt  }
0x43: {  	_ =	shalt  }
0x44: {  	_ =	shalt  }
0x45: {  	_ =	shalt  }
0x46: {  	_ =	shalt  }
0x47: {  	_ =	shalt  }
0x48: {  	_ =	shalt  }
0x49: {  	_ =	shalt  }
0x4a: {  	_ =	shalt  }
0x4b: {  	_ =	shalt  }
0x4c: {  	_ =	shalt  }
0x4d: {  	_ =	shalt  }
0x4e: {  	_ =	shalt  }
0x4f: {  	_ =	shalt  }
0x50: {  	_ =	shalt  }
0x51: {  	_ =	shalt  }
0x52: {  	_ =	shalt  }
0x53: {  	_ =	shalt  }
0x54: {  	_ =	shalt  }
0x55: {  	_ =	shalt  }
0x56: {  	_ =	shalt  }
0x57: {  	_ =	shalt  }
0x58: {  	_ =	shalt  }
0x59: {  	_ =	shalt  }
0x5a: {  	_ =	shalt  }
0x5b: {  	_ =	shalt  }
0x5c: {  	_ =	shalt  }
0x5d: {  	_ =	shalt  }
0x5e: {  	_ =	shalt  }
0x5f: {  	_ =	shalt  }
0x60: {  	_ =	shalt  }
0x61: {  	_ =	shalt  }
0x62: {  	_ =	shalt  }
0x63: {  	_ =	shalt  }
0x64: {  	_ =	shalt  }
0x65: {  	_ =	shalt  }
0x66: {  	_ =	shalt  }
0x67: {  	_ =	shalt  }
0x68: {  	_ =	shalt  }
0x69: {  	_ =	shalt  }
0x6a: {  	_ =	shalt  }
0x6b: {  	_ =	shalt  }
0x6c: {  	_ =	shalt  }
0x6d: {  	_ =	shalt  }
0x6e: {  	_ =	shalt  }
0x6f: {  	_ =	shalt  }
0x70: {  	_ =	shalt  }
0x71: {  	_ =	shalt  }
0x72: {  	_ =	shalt  }
0x73: {  	_ =	shalt  }
0x74: {  	_ =	shalt  }
0x75: {  	_ =	shalt  }
0x76: {  	_ =	shalt  }
0x77: {  	_ =	shalt  }
0x78: {  	_ =	shalt  }
0x79: {  	_ =	shalt  }
0x7a: {  	_ =	shalt  }
0x7b: {  	_ =	shalt  }
0x7c: {  	_ =	shalt  }
0x7d: {  	_ =	shalt  }
0x7e: {  	_ =	shalt  }
0x7f: {  	_ =	shalt  }
0x80: {  	_ =	shalt  }
0x81: {  	_ =	shalt  }
0x82: {  	_ =	shalt  }
0x83: {  	_ =	shalt  }
0x84: {  	_ =	shalt  }
0x85: {  	_ =	shalt  }
0x86: {  	_ =	shalt  }
0x87: {  	_ =	shalt  }
.Lfunc_end0:
.L_simem_size_0:
called_computation.2_lowered:
.L_overlay_start_0:
0x88: {  	s2 =	sld [smem:$0x3FD9]  }
0x89: {  	s3 =	sld [smem:$0x3FFE];
	_ =	sdelay $0x1  }
0x8a: {  	s1 =	srdreg.scid  }
0x8b: {  	s0 =	sand.u32 $0x1, s1  }
0x8c: {  	s17 =	sshll.u32 s0, $0xA;
	s2 =	sadd.s32 s3, s2  }
0x8d: {  	s2 =	sadd.s32 s2, s17  }
0x8e: {  	[smem:$0x3FBC] =	sst s2  }
0x8f: {  	_ = 	snop  }
0x90: {  	s2 =	sld [smem:$0x3FD0];
	(tm) =	ssettm $0x1  }
0x91: {  	s18 =	sld [smem:$0x3FFB];
	_ =	sdelay $0x3  }
0x92: {  	_ =	strace s18  }
0x93: {  	s3 =	sld [smem:$0x3FFC];
	_ =	sdelay $0x3  }
0x94: {  	_ =	strace s3  }
0x95: {  	s3 =	sld [smem:$0x3FFD];
	_ =	sdelay $0x3  }
0x96: {  	_ =	strace s3  }
0x97: {  	_ =	strace $0x8FFFFFFF  }
0x98: {  	s19 =	sld [smem:$0x3FDB];
	_ =	sdelay $0x1  }
0x99: {  	s4 =	simm.s32 $_scs_section_size  }
0x9a: {  	s5 =	simm.s32 $_size__tile_overlayer_lowered;
	s6 =	simm.s32 $_tile_overlayer_lowered  }
0x9b: {  	s22 =	simm.s32 $0x1BFF;
	s21 =	sshll.u32 s6, $0x1;
	s3 =	sadd.s32 s4, s19  }
0x9c: {  	s7 =	simm.s32 $0x0;
	s20 =	sshll.u32 s5, $0x1;
	s5 =	sadd.s32 s21, s3  }
0x9d: {  	[timem:s7], [sflag:s22] =	dma.local [hbm:s5], s20  }
0x9e: {  	_ =	swait.ge [sflag:s22], s20  }
0x9f: {  	s4 =	ssub.s32 $0x0, s20;
	[sflag:s22] =	ssyncset.done $0x0  }
0xa0: {  	[sflag:s22] =	ssyncadd.s32 s4;
	_ =	sdelay $0x1  }
0xa1: {  	s23 =	simm.s32 $0x1B8B  }
0xa2: {  	_ =	swait.ge [sflag:s23], $0x1  }
0xa3: {  	[sflag:s23] =	ssyncset.done $0x0  }
0xa4: {  	s25 =	simm.s32 $0x1B8E;
	s24 =	sld [smem:$0x3FFE];
	[sflag:s23] =	ssyncadd.s32 $0xFFFFFFFF  }
0xa5: {  	s26 =	simm.s32 $execute0_lowered;
	[smem:$0x3FD2] =	sst s25  }
0xa6: {  	s5 =	sshll.u32 s26, $0x1;
	_ =	strace $0x8000004C;
	[dreg:$0x1] =	wrdreg $0xFFFFFFFF  }
0xa7: {  	s28 =	simm.s32 $_size_execute0_lowered;
	s3 =	sadd.s32 s3, s5;
	[dreg:$0x0] =	wrdreg $0x0  }
0xa8: {  	s5 =	sshll.u32 s28, $0x1;
	[dreg:$0x2] =	wrdreg s3  }
0xa9: {  	[dreg:$0x3] =	wrdreg s5  }
0xaa: {  	[dreg:$0x4] =	wrdreg $0xC0  }
0xab: {  	_ =	task [dreg:s7], $0x5FFFF  }
0xac: {  	[dreg:$0x1] =	wrdreg $0xFFFFFFFF  }
0xad: {  	[dreg:$0x0] =	wrdreg $0x60  }
0xae: {  	[dreg:$0x2] =	wrdreg s24  }
0xaf: {  	[dreg:$0x3] =	wrdreg s2  }
0xb0: {  	[dreg:$0x4] =	wrdreg $0x51800  }
0xb1: {  	[dreg:$0x5] =	wrdreg $0x9  }
0xb2: {  	_ =	task.clear_ibuf [dreg:s7], $0x6FFFF;
	_ =	strace $0x9000004C  }
0xb3: {  	s29 =	simm.s32 $0x9;
	_ =	strace $0x8000004E  }
0xb4: {  	_ =	swait.ge [sflag:s29], $0x1  }
0xb5: {  	[sflag:s29] =	ssyncadd.s32 $0xFFFFFFFF  }
0xb6: {  	_ =	strace $0x9000004E  }
0xb7: {  	_ =	sfence  }
0xb8: {  	s30 =	sld [smem:$0x0];
	_ =	sdelay $0x2  }
0xb9: {  	s31 =	sshll.u32 s1, $0xD;
	s1 =	sshrl.u32 s1, $0x2  }
0xba: {  	s3 =	sand.u32 $0x4000, s31;
	s1 =	sadd.s32 s1, s30  }
0xbb: {  	s0 =	sor.u32 s3, s0;
	s1 =	sshll.u32 s1, $0x11  }
0xbc: {  	s0 =	sor.u32 s1, s0  }
0xbd: {  	s0 =	sadd.s32 $0x8F2B, s0  }
0xbe: {  	[sflag:s0] =	ssyncadd.remote.s32 $0x1  }
0xbf: {  	_ =	sfence.sel $0xFFFF  }
0xc0: {  	[dreg:$0x0] =	wrdreg $0xFFFFFFFF;
	(pc) =	sbr.abs _section_cstart, $3  }
0xc1: {  	[dreg:$0x1] =	wrdreg $0xFFFFFFFF  }
0xc2: {  	_ =	task.clear_ibuf [dreg:s7], $0x2FFFF;
	_ =	strace $0x9FFFFFFF  }
0xc3: {  	(tm) =	ssettm $0x7FFFFFFF  }
tec
execute0_lowered:
.L_overlay_start_1:
0x0: {  	(tag) =	ssettag $0x1  }
0x1: {  	s22 =	rddreg [dreg:$0x0]  }
0x2: {  	s8 =	rddreg [dreg:$0x1]  }
0x3: {  	s2 =	rddreg [dreg:$0x2]  }
0x4: {  	s0 =	rddreg [dreg:$0x3];
	s1 =	stileid.u32  }
0x5: {  	s3 =	simm.s32 $0x0;
	s4 =	srdreg.scid;
	s15 =	smul.u32 $0x1400, s1  }
0x6: {  	[smem:$0x7FF] =	sst s3;
	s20 =	sand.u32 $0x1, s4;
	s28 =	smul.u32 $0x5000, s1  }
0x7: {  	s30 =	sshll.u32 s1, $0x6;
	_ =	strace $0x8000004D;
	s6 =	sshll.u32 s20, $0x4  }
0x8: {  	s5 =	sshrl.u32 s15, $0x3;
	s23 =	sor.u32 s1, s6;
	s4 =	sshrl.u32 s28, $0x2  }
0x9: {  	s6 =	simm.s32 $0x2;
	s5 =	sadd.s32 s5, s22;
	s29 =	sadd.s32 s4, s2  }
0xa: {  	s4 =	sadd.s32 $0x66800, s5;
	s5 =	sor.u32 $0x1C02, s30;
	s7 =	sshrl.u32 s29, $0x3  }
0xb: {  	[spmem:s7], [sflag:s5] =	dma.local [hbm:s4], $0x280  }
0xc: {  	s9 =	smul.u32 $0x300, s23;
	_ =	swait.ge [sflag:s6], $0x280  }
0xd: {  	[sflag:s6] =	ssyncset.done $0x0  }
0xe: {  	s9 =	sshrl.u32 s9, $0x3;
	[sflag:s6] =	ssyncadd.s32 $0xFFFFFD80  }
0xf: {  	s8 =	sadd.s32 s8, s9;
	[bflag:$0x0] =	sbarrier.arrive $0xFFFF  }
0x10: {  	[tilespmem:s3], [sflag:$0x2] =	stream.linear.gather [hbm4b:s8+s3], $0x100, $0x38;
	[tilespmem:$0x6580] =	vst v63  }
0x11: {  	_ =	swait.ge [sflag:s6], $0x100  }
0x12: {  	s10 =	simm.s32 $0x80;
	s11 =	simm.s32 $0x100;
	[sflag:s6] =	ssyncset.done $0x0  }
0x13: {  	s12 =	simm.s32 $0x1;
	s9 =	sadd.s32 $0x4A00, s22;
	[sflag:s6] =	ssyncadd.s32 $0xFFFFFF00  }
0x14: {  	[tilespmem:s11], [sflag:$0x1] =	stream.indirect.gather [hbm4b:s9+s10], $0x80, s3, s10, $0xb8;
	[tilespmem:$0x6580] =	vst v63  }
0x15: {  	_ =	swait.ge [sflag:s12], $0x4000  }
0x16: {  	[sflag:s12] =	ssyncset.done $0x0  }
0x17: {  	[sflag:s12] =	ssyncadd.s32 $0xFFFFC000  }
0x18: {  	[spmem:s2] =	stream.indirect.scatter.add.f32 [tilespmem:s11], [sflag:$0x2], $0x80, s10, s10, $0xb8;
	[tilespmem:$0x6580] =	vst v63  }
0x19: {  	_ =	swait.ge [sflag:s6], $0x4000  }
0x1a: {  	[sflag:s6] =	ssyncset.done $0x0  }
0x1b: {  	s13 =	sadd.s32 $0x20, s8;
	[sflag:s6] =	ssyncadd.s32 $0xFFFFC000  }
0x1c: {  	[tilespmem:s3], [sflag:$0x2] =	stream.linear.gather [hbm4b:s13+s3], $0x100, $0x38;
	[tilespmem:$0x6580] =	vst v63  }
0x1d: {  	_ =	swait.ge [sflag:s6], $0x100  }
0x1e: {  	[sflag:s6] =	ssyncset.done $0x0  }
0x1f: {  	[sflag:s6] =	ssyncadd.s32 $0xFFFFFF00  }
0x20: {  	[tilespmem:s11], [sflag:$0x1] =	stream.indirect.gather [hbm4b:s9+s10], $0x80, s3, s10, $0xb8;
	[tilespmem:$0x6580] =	vst v63  }
0x21: {  	_ =	swait.ge [sflag:s12], $0x4000  }
0x22: {  	[sflag:s12] =	ssyncset.done $0x0  }
0x23: {  	[sflag:s12] =	ssyncadd.s32 $0xFFFFC000  }
0x24: {  	[spmem:s2] =	stream.indirect.scatter.add.f32 [tilespmem:s11], [sflag:$0x2], $0x80, s10, s10, $0xb8;
	[tilespmem:$0x6580] =	vst v63  }
0x25: {  	_ =	swait.ge [sflag:s6], $0x4000  }
0x26: {  	[sflag:s6] =	ssyncset.done $0x0  }
0x27: {  	s14 =	sadd.s32 $0x40, s8;
	[sflag:s6] =	ssyncadd.s32 $0xFFFFC000  }
0x28: {  	[tilespmem:s3], [sflag:$0x2] =	stream.linear.gather [hbm4b:s14+s3], $0x100, $0x38;
	[tilespmem:$0x6580] =	vst v63  }
0x29: {  	_ =	swait.ge [sflag:s6], $0x100  }
0x2a: {  	[sflag:s6] =	ssyncset.done $0x0  }
0x2b: {  	[sflag:s6] =	ssyncadd.s32 $0xFFFFFF00  }
0x2c: {  	[tilespmem:s11], [sflag:$0x1] =	stream.indirect.gather [hbm4b:s9+s10], $0x80, s3, s10, $0xb8;
	[tilespmem:$0x6580] =	vst v63  }
0x2d: {  	_ =	swait.ge [sflag:s12], $0x4000  }
0x2e: {  	[sflag:s12] =	ssyncset.done $0x0  }
0x2f: {  	s16 =	smul.u32 $0x14000, s20;
	[sflag:s12] =	ssyncadd.s32 $0xFFFFC000  }
0x30: {  	[spmem:s2] =	stream.indirect.scatter.add.f32 [tilespmem:s11], [sflag:$0x2], $0x80, s10, s10, $0xb8;
	[tilespmem:$0x6580] =	vst v63  }
0x31: {  	s15 =	sadd.s32 s15, s16;
	_ =	swait.ge [sflag:s6], $0x4000  }
0x32: {  	s15 =	sshrl.u32 s15, $0x3;
	[sflag:s6] =	ssyncset.done $0x0  }
0x33: {  	s17 =	sadd.s32 s15, s22;
	[sflag:s6] =	ssyncadd.s32 $0xFFFFC000  }
0x34: {  	s15 =	sadd.s32 $0x2BC00, s17;
	[bflag:$0x0] =	sbarrier.arrive $0xFFFF  }
0x35: {  	[hbm:s15], [sflag:s5] =	dma.local [spmem:s7], $0x280  }
0x36: {  	_ =	swait.ge [sflag:s6], $0x280  }
0x37: {  	[sflag:s6] =	ssyncset.done $0x0  }
0x38: {  	[sflag:s6] =	ssyncadd.s32 $0xFFFFFD80  }
0x39: {  	[bflag:$0x0] =	sbarrier.arrive $0xFFFF  }
0x3a: {  	[spmem:s7], [sflag:s5] =	dma.local [hbm:s4], $0x280  }
0x3b: {  	_ =	swait.ge [sflag:s6], $0x280  }
0x3c: {  	[sflag:s6] =	ssyncset.done $0x0  }
0x3d: {  	s16 =	sadd.s32 $0x8E000, s22;
	[sflag:s6] =	ssyncadd.s32 $0xFFFFFD80  }
0x3e: {  	[tilespmem:s11], [sflag:$0x2] =	stream.linear.gather [hbm4b:s16+s3], $0x4000, $0x38;
	[tilespmem:$0x6580] =	vst v63  }
0x3f: {  	_ =	swait.ge [sflag:s6], $0x4000  }
0x40: {  	[sflag:s6] =	ssyncset.done $0x0  }
0x41: {  	[sflag:s6] =	ssyncadd.s32 $0xFFFFC000  }
0x42: {  	[bflag:$0x0] =	sbarrier.arrive $0xFFFF  }
0x43: {  	[tilespmem:s3], [sflag:$0x2] =	stream.linear.gather [hbm4b:s8+s3], $0x100, $0x38;
	[tilespmem:$0x6580] =	vst v63  }
0x44: {  	_ =	swait.ge [sflag:s6], $0x100  }
0x45: {  	[sflag:s6] =	ssyncset.done $0x0  }
0x46: {  	[sflag:s6] =	ssyncadd.s32 $0xFFFFFF00  }
0x47: {  	[spmem:s2] =	stream.indirect.scatter.add.f32 [tilespmem:s11], [sflag:$0x2], $0x80, s10, s10, $0xb8;
	[tilespmem:$0x6580] =	vst v63  }
0x48: {  	_ =	swait.ge [sflag:s6], $0x4000  }
0x49: {  	[sflag:s6] =	ssyncset.done $0x0  }
0x4a: {  	[sflag:s6] =	ssyncadd.s32 $0xFFFFC000  }
0x4b: {  	[tilespmem:s3], [sflag:$0x2] =	stream.linear.gather [hbm4b:s13+s3], $0x100, $0x38;
	[tilespmem:$0x6580] =	vst v63  }
0x4c: {  	_ =	swait.ge [sflag:s6], $0x100  }
0x4d: {  	[sflag:s6] =	ssyncset.done $0x0  }
0x4e: {  	[sflag:s6] =	ssyncadd.s32 $0xFFFFFF00  }
0x4f: {  	[spmem:s2] =	stream.indirect.scatter.add.f32 [tilespmem:s11], [sflag:$0x2], $0x80, s10, s10, $0xb8;
	[tilespmem:$0x6580] =	vst v63  }
0x50: {  	_ =	swait.ge [sflag:s6], $0x4000  }
0x51: {  	[sflag:s6] =	ssyncset.done $0x0  }
0x52: {  	[sflag:s6] =	ssyncadd.s32 $0xFFFFC000  }
0x53: {  	[tilespmem:s3], [sflag:$0x2] =	stream.linear.gather [hbm4b:s14+s3], $0x100, $0x38;
	[tilespmem:$0x6580] =	vst v63  }
0x54: {  	_ =	swait.ge [sflag:s6], $0x100  }
0x55: {  	[sflag:s6] =	ssyncset.done $0x0  }
0x56: {  	[sflag:s6] =	ssyncadd.s32 $0xFFFFFF00  }
0x57: {  	[spmem:s2] =	stream.indirect.scatter.add.f32 [tilespmem:s11], [sflag:$0x2], $0x80, s10, s10, $0xb8;
	[tilespmem:$0x6580] =	vst v63  }
0x58: {  	_ =	swait.ge [sflag:s6], $0x4000  }
0x59: {  	s18 =	sshll.u32 s1, $0x4;
	[sflag:s6] =	ssyncset.done $0x0  }
0x5a: {  	s21 =	simm.s32 $0x4180;
	s18 =	sand.u32 $0x70, s18;
	[sflag:s6] =	ssyncadd.s32 $0xFFFFC000  }
0x5b: {  	s19 =	sshll.u32 s23, $0x4;
	s17 =	sadd.s32 $0x30C00, s17;
	[bflag:$0x0] =	sbarrier.arrive $0xFFFF  }
0x5c: {  	[hbm:s17], [sflag:s5] =	dma.local [spmem:s7], $0x280  }
0x5d: {  	s18 =	sadd.s32 s18, s22;
	s19 =	sand.u32 $0x180, s19;
	_ =	swait.ge [sflag:s6], $0x280  }
0x5e: {  	s24 =	ssub.s32 $0x2, s20;
	s18 =	sadd.s32 s19, s18;
	[sflag:s6] =	ssyncset.done $0x0  }
0x5f: {  	s19 =	simm.s32 $0x4100;
	s18 =	sadd.s32 $0x104A00, s18;
	[sflag:s6] =	ssyncadd.s32 $0xFFFFFD80  }
0x60: {  	[tilespmem:s19], [sflag:$0x2] =	stream.linear.gather [hbm4b:s18+s3], $0x80, $0x38;
	[tilespmem:$0x6580] =	vst v63  }
0x61: {  	s20 =	simm.s32 $0x20;
	s25 =	sshrl.u32 s24, $0x1;
	_ =	swait.ge [sflag:s6], $0x80  }
0x62: {  	s23 =	sshll.u32 s23, $0x9;
	s31 =	ssub.s32 s24, s25;
	[sflag:s6] =	ssyncset.done $0x0  }
0x63: {  	s22 =	sadd.s32 s23, s22;
	s23 =	smax.u32 s31, $0x1;
	[sflag:s6] =	ssyncadd.s32 $0xFFFFFF80  }
0x64: {  	[tilespmem:s21], [sflag:$0x1] =	stream.indirect.gather [hbm4b:s9+s20], $0x80, s19, s20, $0xb8;
	[tilespmem:$0x6580] =	vst v63  }
0x65: {  	p0 =	sne.s32 s23, $0x1;
	_ =	swait.ge [sflag:s12], $0x1000  }
.Ltmp0:
0x66: {  	[sflag:s12] =	ssyncset.done $0x0;
	(pc) =	sbr.rel @!p0 .LBB2_2-.Ltmp0, $4  }
0x67: {  	s22 =	sadd.s32 $0x35C00, s22;
	[sflag:s12] =	ssyncadd.s32 $0xFFFFF000  }
0x68: {  	[hbm4b:s22+s3] =	stream.linear.scatter [tilespmem:s21], [sflag:$0x2], $0x1000, $0x38;
	[tilespmem:$0x6580] =	vst v63  }
0x69: {  	_ =	swait.ge [sflag:s6], $0x1000  }
0x6a: {  	s23 =	sadd.s32 $0xFFFFFFFF, s23;
	[sflag:s6] =	ssyncset.done $0x0  }
.LBB2_1:
0x6b: {  	p0 =	sne.s32 s23, $0x1;
	s23 =	sadd.s32 $0xFFFFFFFF, s23;
	[sflag:s6] =	ssyncadd.s32 $0xFFFFF000  }
0x6c: {  	[spmem:s7], [sflag:s5] =	dma.local [hbm:s4], $0x280  }
0x6d: {  	_ =	swait.ge [sflag:s6], $0x280  }
0x6e: {  	[sflag:s6] =	ssyncset.done $0x0  }
0x6f: {  	[sflag:s6] =	ssyncadd.s32 $0xFFFFFD80  }
0x70: {  	[bflag:$0x0] =	sbarrier.arrive $0xFFFF  }
0x71: {  	[tilespmem:s3], [sflag:$0x2] =	stream.linear.gather [hbm4b:s8+s3], $0x100, $0x38;
	[tilespmem:$0x6580] =	vst v63  }
0x72: {  	_ =	swait.ge [sflag:s6], $0x100  }
0x73: {  	[sflag:s6] =	ssyncset.done $0x0  }
0x74: {  	[sflag:s6] =	ssyncadd.s32 $0xFFFFFF00  }
0x75: {  	[tilespmem:s11], [sflag:$0x1] =	stream.indirect.gather [hbm4b:s9+s10], $0x80, s3, s10, $0xb8;
	[tilespmem:$0x6580] =	vst v63  }
0x76: {  	_ =	swait.ge [sflag:s12], $0x4000  }
0x77: {  	[sflag:s12] =	ssyncset.done $0x0  }
0x78: {  	[sflag:s12] =	ssyncadd.s32 $0xFFFFC000  }
0x79: {  	[spmem:s2] =	stream.indirect.scatter.add.f32 [tilespmem:s11], [sflag:$0x2], $0x80, s10, s10, $0xb8;
	[tilespmem:$0x6580] =	vst v63  }
0x7a: {  	_ =	swait.ge [sflag:s6], $0x4000  }
0x7b: {  	[sflag:s6] =	ssyncset.done $0x0  }
0x7c: {  	[sflag:s6] =	ssyncadd.s32 $0xFFFFC000  }
0x7d: {  	[tilespmem:s3], [sflag:$0x2] =	stream.linear.gather [hbm4b:s13+s3], $0x100, $0x38;
	[tilespmem:$0x6580] =	vst v63  }
0x7e: {  	_ =	swait.ge [sflag:s6], $0x100  }
0x7f: {  	[sflag:s6] =	ssyncset.done $0x0  }
0x80: {  	[sflag:s6] =	ssyncadd.s32 $0xFFFFFF00  }
0x81: {  	[tilespmem:s11], [sflag:$0x1] =	stream.indirect.gather [hbm4b:s9+s10], $0x80, s3, s10, $0xb8;
	[tilespmem:$0x6580] =	vst v63  }
0x82: {  	_ =	swait.ge [sflag:s12], $0x4000  }
0x83: {  	[sflag:s12] =	ssyncset.done $0x0  }
0x84: {  	[sflag:s12] =	ssyncadd.s32 $0xFFFFC000  }
0x85: {  	[spmem:s2] =	stream.indirect.scatter.add.f32 [tilespmem:s11], [sflag:$0x2], $0x80, s10, s10, $0xb8;
	[tilespmem:$0x6580] =	vst v63  }
0x86: {  	_ =	swait.ge [sflag:s6], $0x4000  }
0x87: {  	[sflag:s6] =	ssyncset.done $0x0  }
0x88: {  	[sflag:s6] =	ssyncadd.s32 $0xFFFFC000  }
0x89: {  	[tilespmem:s3], [sflag:$0x2] =	stream.linear.gather [hbm4b:s14+s3], $0x100, $0x38;
	[tilespmem:$0x6580] =	vst v63  }
0x8a: {  	_ =	swait.ge [sflag:s6], $0x100  }
0x8b: {  	[sflag:s6] =	ssyncset.done $0x0  }
0x8c: {  	[sflag:s6] =	ssyncadd.s32 $0xFFFFFF00  }
0x8d: {  	[tilespmem:s11], [sflag:$0x1] =	stream.indirect.gather [hbm4b:s9+s10], $0x80, s3, s10, $0xb8;
	[tilespmem:$0x6580] =	vst v63  }
0x8e: {  	_ =	swait.ge [sflag:s12], $0x4000  }
0x8f: {  	[sflag:s12] =	ssyncset.done $0x0  }
0x90: {  	[sflag:s12] =	ssyncadd.s32 $0xFFFFC000  }
0x91: {  	[spmem:s2] =	stream.indirect.scatter.add.f32 [tilespmem:s11], [sflag:$0x2], $0x80, s10, s10, $0xb8;
	[tilespmem:$0x6580] =	vst v63  }
0x92: {  	_ =	swait.ge [sflag:s6], $0x4000  }
0x93: {  	[sflag:s6] =	ssyncset.done $0x0  }
0x94: {  	[sflag:s6] =	ssyncadd.s32 $0xFFFFC000  }
0x95: {  	[bflag:$0x0] =	sbarrier.arrive $0xFFFF  }
0x96: {  	[hbm:s15], [sflag:s5] =	dma.local [spmem:s7], $0x280  }
0x97: {  	_ =	swait.ge [sflag:s6], $0x280  }
0x98: {  	[sflag:s6] =	ssyncset.done $0x0  }
0x99: {  	[sflag:s6] =	ssyncadd.s32 $0xFFFFFD80  }
0x9a: {  	[bflag:$0x0] =	sbarrier.arrive $0xFFFF  }
0x9b: {  	[spmem:s7], [sflag:s5] =	dma.local [hbm:s4], $0x280  }
0x9c: {  	_ =	swait.ge [sflag:s6], $0x280  }
0x9d: {  	[sflag:s6] =	ssyncset.done $0x0  }
0x9e: {  	[sflag:s6] =	ssyncadd.s32 $0xFFFFFD80  }
0x9f: {  	[tilespmem:s11], [sflag:$0x2] =	stream.linear.gather [hbm4b:s16+s3], $0x4000, $0x38;
	[tilespmem:$0x6580] =	vst v63  }
0xa0: {  	_ =	swait.ge [sflag:s6], $0x4000  }
0xa1: {  	[sflag:s6] =	ssyncset.done $0x0  }
0xa2: {  	[sflag:s6] =	ssyncadd.s32 $0xFFFFC000  }
0xa3: {  	[bflag:$0x0] =	sbarrier.arrive $0xFFFF  }
0xa4: {  	[tilespmem:s3], [sflag:$0x2] =	stream.linear.gather [hbm4b:s8+s3], $0x100, $0x38;
	[tilespmem:$0x6580] =	vst v63  }
0xa5: {  	_ =	swait.ge [sflag:s6], $0x100  }
0xa6: {  	[sflag:s6] =	ssyncset.done $0x0  }
0xa7: {  	[sflag:s6] =	ssyncadd.s32 $0xFFFFFF00  }
0xa8: {  	[spmem:s2] =	stream.indirect.scatter.add.f32 [tilespmem:s11], [sflag:$0x2], $0x80, s10, s10, $0xb8;
	[tilespmem:$0x6580] =	vst v63  }
0xa9: {  	_ =	swait.ge [sflag:s6], $0x4000  }
0xaa: {  	[sflag:s6] =	ssyncset.done $0x0  }
0xab: {  	[sflag:s6] =	ssyncadd.s32 $0xFFFFC000  }
0xac: {  	[tilespmem:s3], [sflag:$0x2] =	stream.linear.gather [hbm4b:s13+s3], $0x100, $0x38;
	[tilespmem:$0x6580] =	vst v63  }
0xad: {  	_ =	swait.ge [sflag:s6], $0x100  }
0xae: {  	[sflag:s6] =	ssyncset.done $0x0  }
0xaf: {  	[sflag:s6] =	ssyncadd.s32 $0xFFFFFF00  }
0xb0: {  	[spmem:s2] =	stream.indirect.scatter.add.f32 [tilespmem:s11], [sflag:$0x2], $0x80, s10, s10, $0xb8;
	[tilespmem:$0x6580] =	vst v63  }
0xb1: {  	_ =	swait.ge [sflag:s6], $0x4000  }
0xb2: {  	[sflag:s6] =	ssyncset.done $0x0  }
0xb3: {  	[sflag:s6] =	ssyncadd.s32 $0xFFFFC000  }
0xb4: {  	[tilespmem:s3], [sflag:$0x2] =	stream.linear.gather [hbm4b:s14+s3], $0x100, $0x38;
	[tilespmem:$0x6580] =	vst v63  }
0xb5: {  	_ =	swait.ge [sflag:s6], $0x100  }
0xb6: {  	[sflag:s6] =	ssyncset.done $0x0  }
0xb7: {  	[sflag:s6] =	ssyncadd.s32 $0xFFFFFF00  }
0xb8: {  	[spmem:s2] =	stream.indirect.scatter.add.f32 [tilespmem:s11], [sflag:$0x2], $0x80, s10, s10, $0xb8;
	[tilespmem:$0x6580] =	vst v63  }
0xb9: {  	_ =	swait.ge [sflag:s6], $0x4000  }
0xba: {  	[sflag:s6] =	ssyncset.done $0x0  }
0xbb: {  	[sflag:s6] =	ssyncadd.s32 $0xFFFFC000  }
0xbc: {  	[bflag:$0x0] =	sbarrier.arrive $0xFFFF  }
0xbd: {  	[hbm:s17], [sflag:s5] =	dma.local [spmem:s7], $0x280  }
0xbe: {  	_ =	swait.ge [sflag:s6], $0x280  }
0xbf: {  	[sflag:s6] =	ssyncset.done $0x0  }
0xc0: {  	[sflag:s6] =	ssyncadd.s32 $0xFFFFFD80  }
0xc1: {  	[tilespmem:s19], [sflag:$0x2] =	stream.linear.gather [hbm4b:s18+s3], $0x80, $0x38;
	[tilespmem:$0x6580] =	vst v63  }
0xc2: {  	_ =	swait.ge [sflag:s6], $0x80  }
0xc3: {  	[sflag:s6] =	ssyncset.done $0x0  }
0xc4: {  	[sflag:s6] =	ssyncadd.s32 $0xFFFFFF80  }
0xc5: {  	[tilespmem:s21], [sflag:$0x1] =	stream.indirect.gather [hbm4b:s9+s20], $0x80, s19, s20, $0xb8;
	[tilespmem:$0x6580] =	vst v63  }
0xc6: {  	_ =	swait.ge [sflag:s12], $0x1000  }
.Ltmp1:
0xc7: {  	[sflag:s12] =	ssyncset.done $0x0;
	(pc) =	sbr.rel @p0 .LBB2_1-.Ltmp1, $4  }
0xc8: {  	[sflag:s12] =	ssyncadd.s32 $0xFFFFF000  }
0xc9: {  	[hbm4b:s22+s3] =	stream.linear.scatter [tilespmem:s21], [sflag:$0x2], $0x1000, $0x38;
	[tilespmem:$0x6580] =	vst v63  }
0xca: {  	_ =	swait.ge [sflag:s6], $0x1000  }
0xcb: {  	[sflag:s6] =	ssyncset.done $0x0  }
.LBB2_2:
0xcc: {  	[sflag:s6] =	ssyncadd.s32 $0xFFFFF000  }
0xcd: {  	_ =	sfence.sel $0x180000  }
0xce: {  	[bflag:$0x0] =	sbarrier.arrive $0xFFFF  }
0xcf: {  	p0 =	sne.s32 s1, $0x0;
	_ =	strace $0x9000004D  }
0xd0: {  	s0 =	sadd.s32 @!p0 $0x100000, s0;
	[bflag:$0x2] =	sbarrier.arrive $0xFFFF  }
0xd1: {  	[sflag:s0] =	ssyncadd.tile.s32 @!p0 $0x1;
	_ =	shalt  }
.Lfunc_end2:
_tile_overlayer_lowered:
.L_overlay_start_2:
0xd2: {  	(tag) =	ssettag $0x2  }
0xd3: {  	s0 =	rddreg [dreg:$0x0];
	s2 =	stileid.u32  }
0xd4: {  	s1 =	rddreg [dreg:$0x1];
	p0 =	sne.s32 s2, $0x0  }
0xd5: {  	s3 =	rddreg [dreg:$0x2];
	[bflag:$0x3] =	sbarrier.arrive $0xFFFF;
	s2 =	simm.s32 @!p0 $0x1C02  }
0xd6: {  	[timem:s3], [sflag:s2] =	dma.local @!p0 [hbm:s0], s1  }
0xd7: {  	s0 =	simm.s32 @!p0 $0x2  }
0xd8: {  	_ =	swait.ge @!p0 [sflag:s0], s1  }
0xd9: {  	s1 =	ssub.s32 @!p0 $0x0, s1;
	[sflag:s0] =	ssyncset.done @!p0 $0x0  }
0xda: {  	[sflag:s0] =	ssyncadd.s32 @!p0 s1  }
0xdb: {  	[bflag:$0x3] =	sbarrier.arrive $0xFFFF  }
0xdc: {  	_ =	shalt  }

// kernel: kernel.9.cloned.1.call-start
scs
__scs_entry_jumppad:
0x0: {  	(pc) =	sbr.rel $0x88, $3  }
0x1: {  	(tag) =	ssettag $0x0;
	lr =	simm.s32 $0x1  }
0x2: {  	[smem:$0x3F95] =	sst lr;
	_ =	strace $0xD0000000  }
0x3: {  	_ = 	snop  }
0x4: {  	_ = 	snop  }
0x5: {  	_ = 	snop  }
0x6: {  	_ = 	snop  }
0x7: {  	_ = 	snop  }
__scs_overlays_trampoline_lowered:
0x8: {  	[smem:$0x3FA4] =	sst s0  }
0x9: {  	[smem:$0x3FA5] =	sst s1  }
0xa: {  	[smem:$0x3FA6] =	sst s2  }
0xb: {  	[smem:$0x3FA7] =	sst s3  }
0xc: {  	[smem:$0x3FA8] =	sst s4  }
0xd: {  	[smem:$0x3FA9] =	sst s5  }
0xe: {  	[smem:$0x3FAA] =	sst s6  }
0xf: {  	[smem:$0x3FAB] =	sst s7  }
0x10: {  	[smem:$0x3FAC] =	sst s8  }
0x11: {  	[smem:$0x3FAD] =	sst s9;
	s0 =	simm.s32 @!p0 $0x0  }
0x12: {  	s1 =	sld [smem:$0x3F93];
	s0 =	simm.s32 @p0 $0x1  }
0x13: {  	[smem:$0x3FAE] =	sst s0;
	s0 =	simm.s32 @!p1 $0x0  }
0x14: {  	s2 =	sld [smem:$0x3F92];
	s0 =	simm.s32 @p1 $0x1  }
0x15: {  	[smem:$0x3FAF] =	sst s0;
	s0 =	simm.s32 @!p2 $0x0  }
0x16: {  	s3 =	sld [smem:$0x3FDB];
	s0 =	simm.s32 @p2 $0x1  }
0x17: {  	s4 =	simm.s32 $0x1BF5;
	[smem:$0x3FB1] =	sst s0  }
0x18: {  	s0 =	sld [smem:$0x3F94];
	_ =	swait.ge [sflag:s4], $0x0  }
0x19: {  	s7 =	sld [smem:$0x3F95]  }
0x1a: {  	s8 =	sadd.s32 $0xFFFFE003, lr  }
0x1b: {  	s9 =	sadd.s32 $0xFFFFFEF7, lr;
	s5 =	simm.s32 $0xFFFFFFFF;
	p2 =	slt.u32 s8, $0xFFFFF086  }
0x1c: {  	p1 =	slt.u32 s9, $0xF7A;
	s5 =	simm.s32 @!p2 $0x0  }
0x1d: {  	s5 =	simm.s32 @p1 $0x1;
	p0 =	seq.s32 s7, s2  }
0x1e: {  	s7 =	smul.u32 @!p0 $0xF7A, s2;
	p2 =	seq.s32 @!p0 s5, $0x0  }
0x1f: {  	s9 =	smul.u32 $0xF7A, s1;
	s8 =	simm.s32 @!p0 $0x1BF5;
	p2 =	por !p2, p0  }
0x20: {  	[sflag:s8] =	ssyncset.s32 @!p0 $0xFFFFF086;
	s6 =	sadd.s32 @!p0 s3, s7;
	s7 =	simm.s32 @!p0 $0x108  }
0x21: {  	s3 =	sadd.s32 s3, s9;
	s6 =	sadd.s32 @!p0 $0x88, s6;
	s7 =	simm.s32 @p2 $0x1082  }
0x22: {  	[simem:s7], [sflag:s8] =	dma.local @!p0 [hbm:s6], $0xF7A  }
0x23: {  	s9 =	sor.u32 $0xD0000000, s2;
	s6 =	simm.s32 $0x108;
	_ =	swait.ge @!p0 [sflag:s8], $0x0  }
0x24: {  	s3 =	sadd.s32 $0x88, s3;
	s6 =	simm.s32 @!p1 $0x1082;
	[sflag:s4] =	ssyncset.s32 $0xFFFFF086  }
0x25: {  	[simem:s6], [sflag:s4] =	dma.local [hbm:s3], $0xF7A  }
0x26: {  	[smem:$0x3F95] =	sst s1;
	(tag) =	ssettag s2;
	_ =	strace s9  }
0x27: {  	s1 =	sld [smem:$0x3FA5]  }
0x28: {  	s2 =	sld [smem:$0x3FA6]  }
0x29: {  	s4 =	sld [smem:$0x3FA8]  }
0x2a: {  	p0 =	seq.s32 s5, $0x0;
	s5 =	sld [smem:$0x3FA9]  }
0x2b: {  	s6 =	sld [smem:$0x3FAA]  }
0x2c: {  	s7 =	sld [smem:$0x3FAB]  }
0x2d: {  	s3 =	simm.s32 $0x108;
	s8 =	sld [smem:$0x3FAC]  }
0x2e: {  	s3 =	simm.s32 @!p0 $0x1082;
	s9 =	sld [smem:$0x3FAD]  }
0x2f: {  	lr =	sadd.s32 s0, s3;
	s0 =	sld [smem:$0x3FA4]  }
0x30: {  	s3 =	sld [smem:$0x3FA7]  }
0x31: {  	[smem:$0x3FB0] =	sst s10  }
0x32: {  	s10 =	sld [smem:$0x3FAE];
	_ =	sdelay $0x3  }
0x33: {  	p0 =	seq.s32 s10, $0x1;
	s10 =	sld [smem:$0x3FB0];
	_ =	sdelay $0x3  }
0x34: {  	[smem:$0x3FB0] =	sst s10  }
0x35: {  	s10 =	sld [smem:$0x3FAF];
	_ =	sdelay $0x3  }
0x36: {  	p1 =	seq.s32 s10, $0x1;
	s10 =	sld [smem:$0x3FB0];
	_ =	sdelay $0x3  }
0x37: {  	[smem:$0x3FB0] =	sst s10  }
0x38: {  	s10 =	sld [smem:$0x3FB1]  }
0x39: {  	_ = 	snop;
	(pc) =	sbr.ind lr, $3  }
0x3a: {  	_ = 	snop  }
0x3b: {  	_ = 	snop  }
0x3c: {  	p2 =	seq.s32 s10, $0x1;
	s10 =	sld [smem:$0x3FB0]  }
0x3d: {  	_ =	shalt  }
0x3e: {  	_ =	shalt  }
0x3f: {  	_ =	shalt  }
0x40: {  	_ =	shalt  }
0x41: {  	_ =	shalt  }
0x42: {  	_ =	shalt  }
0x43: {  	_ =	shalt  }
0x44: {  	_ =	shalt  }
0x45: {  	_ =	shalt  }
0x46: {  	_ =	shalt  }
0x47: {  	_ =	shalt  }
0x48: {  	_ =	shalt  }
0x49: {  	_ =	shalt  }
0x4a: {  	_ =	shalt  }
0x4b: {  	_ =	shalt  }
0x4c: {  	_ =	shalt  }
0x4d: {  	_ =	shalt  }
0x4e: {  	_ =	shalt  }
0x4f: {  	_ =	shalt  }
0x50: {  	_ =	shalt  }
0x51: {  	_ =	shalt  }
0x52: {  	_ =	shalt  }
0x53: {  	_ =	shalt  }
0x54: {  	_ =	shalt  }
0x55: {  	_ =	shalt  }
0x56: {  	_ =	shalt  }
0x57: {  	_ =	shalt  }
0x58: {  	_ =	shalt  }
0x59: {  	_ =	shalt  }
0x5a: {  	_ =	shalt  }
0x5b: {  	_ =	shalt  }
0x5c: {  	_ =	shalt  }
0x5d: {  	_ =	shalt  }
0x5e: {  	_ =	shalt  }
0x5f: {  	_ =	shalt  }
0x60: {  	_ =	shalt  }
0x61: {  	_ =	shalt  }
0x62: {  	_ =	shalt  }
0x63: {  	_ =	shalt  }
0x64: {  	_ =	shalt  }
0x65: {  	_ =	shalt  }
0x66: {  	_ =	shalt  }
0x67: {  	_ =	shalt  }
0x68: {  	_ =	shalt  }
0x69: {  	_ =	shalt  }
0x6a: {  	_ =	shalt  }
0x6b: {  	_ =	shalt  }
0x6c: {  	_ =	shalt  }
0x6d: {  	_ =	shalt  }
0x6e: {  	_ =	shalt  }
0x6f: {  	_ =	shalt  }
0x70: {  	_ =	shalt  }
0x71: {  	_ =	shalt  }
0x72: {  	_ =	shalt  }
0x73: {  	_ =	shalt  }
0x74: {  	_ =	shalt  }
0x75: {  	_ =	shalt  }
0x76: {  	_ =	shalt  }
0x77: {  	_ =	shalt  }
0x78: {  	_ =	shalt  }
0x79: {  	_ =	shalt  }
0x7a: {  	_ =	shalt  }
0x7b: {  	_ =	shalt  }
0x7c: {  	_ =	shalt  }
0x7d: {  	_ =	shalt  }
0x7e: {  	_ =	shalt  }
0x7f: {  	_ =	shalt  }
0x80: {  	_ =	shalt  }
0x81: {  	_ =	shalt  }
0x82: {  	_ =	shalt  }
0x83: {  	_ =	shalt  }
0x84: {  	_ =	shalt  }
0x85: {  	_ =	shalt  }
0x86: {  	_ =	shalt  }
0x87: {  	_ =	shalt  }
.Lfunc_end0:
.L_simem_size_0:
called_computation_lowered:
.L_overlay_start_0:
0x88: {  	s2 =	sld [smem:$0x3FD9]  }
0x89: {  	s3 =	sld [smem:$0x3FFE];
	_ =	sdelay $0x1  }
0x8a: {  	s1 =	srdreg.scid  }
0x8b: {  	s0 =	sand.u32 $0x1, s1  }
0x8c: {  	s16 =	sshll.u32 s0, $0xA;
	s2 =	sadd.s32 s3, s2  }
0x8d: {  	s2 =	sadd.s32 s2, s16  }
0x8e: {  	[smem:$0x3FBC] =	sst s2  }
0x8f: {  	_ = 	snop  }
0x90: {  	(tm) =	ssettm $0x1  }
0x91: {  	s17 =	sld [smem:$0x3FFB];
	_ =	sdelay $0x3  }
0x92: {  	_ =	strace s17  }
0x93: {  	s2 =	sld [smem:$0x3FFC];
	_ =	sdelay $0x3  }
0x94: {  	_ =	strace s2  }
0x95: {  	s2 =	sld [smem:$0x3FFD];
	_ =	sdelay $0x3  }
0x96: {  	_ =	strace s2  }
0x97: {  	_ =	strace $0x8FFFFFFF  }
0x98: {  	s18 =	sld [smem:$0x3FDB];
	_ =	sdelay $0x1  }
0x99: {  	s19 =	simm.s32 $_scs_section_size  }
0x9a: {  	s4 =	simm.s32 $_size__tile_overlayer_lowered;
	s5 =	simm.s32 $_tile_overlayer_lowered  }
0x9b: {  	s22 =	simm.s32 $0x1BFF;
	s21 =	sshll.u32 s5, $0x1;
	s2 =	sadd.s32 s19, s18  }
0x9c: {  	s6 =	simm.s32 $0x0;
	s20 =	sshll.u32 s4, $0x1;
	s4 =	sadd.s32 s21, s2  }
0x9d: {  	[timem:s6], [sflag:s22] =	dma.local [hbm:s4], s20  }
0x9e: {  	_ =	swait.ge [sflag:s22], s20  }
0x9f: {  	s3 =	ssub.s32 $0x0, s20;
	[sflag:s22] =	ssyncset.done $0x0  }
0xa0: {  	[sflag:s22] =	ssyncadd.s32 s3;
	_ =	sdelay $0x1  }
0xa1: {  	s23 =	simm.s32 $0x1B8B  }
0xa2: {  	_ =	swait.ge [sflag:s23], $0x1  }
0xa3: {  	[sflag:s23] =	ssyncset.done $0x0  }
0xa4: {  	s25 =	simm.s32 $0x1B8E;
	s24 =	sld [smem:$0x3FFE];
	[sflag:s23] =	ssyncadd.s32 $0xFFFFFFFF  }
0xa5: {  	s26 =	simm.s32 $execute0_lowered;
	[smem:$0x3FD2] =	sst s25  }
0xa6: {  	s4 =	sshll.u32 s26, $0x1;
	_ =	strace $0x80000046;
	[dreg:$0x1] =	wrdreg $0xFFFFFFFF  }
0xa7: {  	s28 =	simm.s32 $_size_execute0_lowered;
	s2 =	sadd.s32 s2, s4;
	[dreg:$0x0] =	wrdreg $0x0  }
0xa8: {  	s4 =	sshll.u32 s28, $0x1;
	[dreg:$0x2] =	wrdreg s2  }
0xa9: {  	[dreg:$0x3] =	wrdreg s4  }
0xaa: {  	[dreg:$0x4] =	wrdreg $0xC0  }
0xab: {  	_ =	task [dreg:s6], $0x5FFFF  }
0xac: {  	[dreg:$0x1] =	wrdreg $0xFFFFFFFF  }
0xad: {  	[dreg:$0x0] =	wrdreg $0x60  }
0xae: {  	[dreg:$0x2] =	wrdreg s24  }
0xaf: {  	[dreg:$0x3] =	wrdreg $0x41000  }
0xb0: {  	[dreg:$0x4] =	wrdreg $0x9  }
0xb1: {  	_ =	task.clear_ibuf [dreg:s6], $0x5FFFF;
	_ =	strace $0x90000046  }
0xb2: {  	s29 =	simm.s32 $0x9;
	_ =	strace $0x80000048  }
0xb3: {  	_ =	swait.ge [sflag:s29], $0x1  }
0xb4: {  	[sflag:s29] =	ssyncadd.s32 $0xFFFFFFFF  }
0xb5: {  	_ =	strace $0x90000048  }
0xb6: {  	_ =	sfence  }
0xb7: {  	s30 =	sld [smem:$0x0];
	_ =	sdelay $0x2  }
0xb8: {  	s31 =	sshll.u32 s1, $0xD;
	s1 =	sshrl.u32 s1, $0x2  }
0xb9: {  	s3 =	sand.u32 $0x4000, s31;
	s1 =	sadd.s32 s1, s30  }
0xba: {  	s0 =	sor.u32 s3, s0;
	s1 =	sshll.u32 s1, $0x11  }
0xbb: {  	s0 =	sor.u32 s1, s0  }
0xbc: {  	s0 =	sadd.s32 $0x8F2B, s0  }
0xbd: {  	[sflag:s0] =	ssyncadd.remote.s32 $0x1  }
0xbe: {  	_ =	sfence.sel $0xFFFF  }
0xbf: {  	[dreg:$0x0] =	wrdreg $0xFFFFFFFF;
	(pc) =	sbr.abs _section_cstart, $3  }
0xc0: {  	[dreg:$0x1] =	wrdreg $0xFFFFFFFF  }
0xc1: {  	_ =	task.clear_ibuf [dreg:s6], $0x2FFFF;
	_ =	strace $0x9FFFFFFF  }
0xc2: {  	(tm) =	ssettm $0x7FFFFFFF  }
0xc3: {  	_ =	shalt  }
tec
execute0_lowered:
.L_overlay_start_1:
0x0: {  	(tag) =	ssettag $0x1  }
0x1: {  	s6 =	rddreg [dreg:$0x0]  }
0x2: {  	s2 =	rddreg [dreg:$0x1]  }
0x3: {  	s0 =	rddreg [dreg:$0x2];
	s1 =	stileid.u32  }
0x4: {  	s3 =	simm.s32 $0x0;
	s4 =	srdreg.scid;
	s5 =	smul.u32 $0x43, s1  }
0x5: {  	s15 =	simm.s32 $0x80;
	s7 =	sand.u32 $0x1, s4;
	s4 =	smul.u32 $0x5A, s1  }
0x6: {  	s16 =	simm.s32 $0x100;
	s17 =	simm.s32 $0x1;
	s8 =	smul.u32 $0x13C00, s1  }
0x7: {  	s18 =	simm.s32 $0x0;
	[smem:$0x7FF] =	sst s3;
	s28 =	smul.u32 $0x4F000, s1  }
0x8: {  	s31 =	sshll.u32 s1, $0x6;
	p0 =	seq.s32 s7, $0x0;
	_ =	strace $0x80000047  }
0x9: {  	s9 =	smul.u32 $0x13C000, s7;
	s7 =	ssub.s32 $0x2, s7;
	s5 =	sadd.s32 $0x5A0, s5  }
0xa: {  	s10 =	sshrl.u32 s8, $0x3;
	s29 =	sshrl.u32 s7, $0x1;
	s30 =	sshrl.u32 s28, $0x2  }
0xb: {  	s5 =	smov.u32 @p0 s4;
	s4 =	sadd.s32 $0x18400, s6;
	s10 =	sadd.s32 s10, s6  }
0xc: {  	s26 =	sadd.s32 s8, s9;
	s13 =	ssub.s32 s7, s29;
	s5 =	sshll.u32 s5, $0x5  }
0xd: {  	s14 =	sadd.s32 s30, s2;
	s8 =	sshrl.u32 s26, $0x3;
	s12 =	sadd.s32 s5, s6  }
0xe: {  	s5 =	sadd.s32 $0x8E000, s6;
	s11 =	sadd.s32 s8, s6;
	s6 =	simm.s32 $0x5A  }
0xf: {  	s7 =	sadd.s32 $0x66800, s10;
	s8 =	sor.u32 $0x1C02, s31;
	s6 =	simm.s32 @!p0 $0x43  }
0x10: {  	s9 =	sadd.s32 $0x8E800, s11;
	s10 =	sadd.s32 $0xDD800, s11;
	s11 =	smax.u32 s13, $0x1  }
0x11: {  	s12 =	sadd.s32 $0x4A00, s12;
	s13 =	sshrl.u32 s14, $0x3;
	s14 =	simm.s32 $0x2  }
.LBB2_1:
0x12: {  	[spmem:s13], [sflag:s8] =	dma.local [hbm:s7], $0x2780  }
0x13: {  	_ =	swait.ge [sflag:s14], $0x2780  }
0x14: {  	[sflag:s14] =	ssyncset.done $0x0  }
0x15: {  	[sflag:s14] =	ssyncadd.s32 $0xFFFFD880  }
0x16: {  	[bflag:$0x0] =	sbarrier.arrive $0xFFFF  }
0x17: {  	[tilespmem:s3], [sflag:$0x2] =	stream.linear.gather [hbm4b:s12+s3], $0x100, $0x38;
	[tilespmem:$0x17D00] =	vst v63  }
0x18: {  	_ =	swait.ge [sflag:s14], $0x100  }
0x19: {  	[sflag:s14] =	ssyncset.done $0x0  }
0x1a: {  	[sflag:s14] =	ssyncadd.s32 $0xFFFFFF00  }
0x1b: {  	[tilespmem:s16], [sflag:$0x1] =	stream.indirect.gather [hbm4b:s4+s15], $0x80, s3, s15, $0xb8;
	[tilespmem:$0x17D00] =	vst v63  }
0x1c: {  	p0 =	sne.s32 s6, $0x1;
	_ =	swait.ge [sflag:s17], $0x4000  }
.Ltmp0:
0x1d: {  	[sflag:s17] =	ssyncset.done $0x0;
	(pc) =	sbr.rel @!p0 .LBB2_3-.Ltmp0, $4  }
0x1e: {  	[sflag:s17] =	ssyncadd.s32 $0xFFFFC000  }
0x1f: {  	[spmem:s2] =	stream.indirect.scatter.add.f32 [tilespmem:s16], [sflag:$0x2], $0x80, s15, s15, $0xb8;
	[tilespmem:$0x17D00] =	vst v63  }
0x20: {  	_ =	swait.ge [sflag:s14], $0x4000  }
0x21: {  	s19 =	sadd.s32 $0xFFFFFFFF, s6;
	s20 =	smov.u32 s12;
	[sflag:s14] =	ssyncset.done $0x0  }
.LBB2_2:
0x22: {  	p1 =	sne.s32 s19, $0x1;
	[sflag:s14] =	ssyncadd.s32 $0xFFFFC000;
	s20 =	sadd.s32 $0x20, s20  }
0x23: {  	[tilespmem:s3], [sflag:$0x2] =	stream.linear.gather [hbm4b:s20+s3], $0x100, $0x38;
	[tilespmem:$0x17D00] =	vst v63  }
0x24: {  	s19 =	sadd.s32 $0xFFFFFFFF, s19;
	_ =	swait.ge [sflag:s14], $0x100  }
0x25: {  	[sflag:s14] =	ssyncset.done $0x0  }
0x26: {  	[sflag:s14] =	ssyncadd.s32 $0xFFFFFF00  }
0x27: {  	[tilespmem:s16], [sflag:$0x1] =	stream.indirect.gather [hbm4b:s4+s15], $0x80, s3, s15, $0xb8;
	[tilespmem:$0x17D00] =	vst v63  }
0x28: {  	_ =	swait.ge [sflag:s17], $0x4000  }
.Ltmp1:
0x29: {  	[sflag:s17] =	ssyncset.done $0x0;
	(pc) =	sbr.rel @p1 .LBB2_2-.Ltmp1, $4  }
0x2a: {  	[sflag:s17] =	ssyncadd.s32 $0xFFFFC000  }
0x2b: {  	[spmem:s2] =	stream.indirect.scatter.add.f32 [tilespmem:s16], [sflag:$0x2], $0x80, s15, s15, $0xb8;
	[tilespmem:$0x17D00] =	vst v63  }
0x2c: {  	_ =	swait.ge [sflag:s14], $0x4000  }
0x2d: {  	[sflag:s14] =	ssyncset.done $0x0  }
.LBB2_3:
0x2e: {  	[sflag:s14] =	ssyncadd.s32 $0xFFFFC000  }
0x2f: {  	[bflag:$0x0] =	sbarrier.arrive $0xFFFF  }
0x30: {  	[hbm:s9], [sflag:s8] =	dma.local [spmem:s13], $0x2780  }
0x31: {  	_ =	swait.ge [sflag:s14], $0x2780  }
0x32: {  	[sflag:s14] =	ssyncset.done $0x0  }
0x33: {  	[sflag:s14] =	ssyncadd.s32 $0xFFFFD880  }
0x34: {  	[bflag:$0x0] =	sbarrier.arrive $0xFFFF  }
0x35: {  	[spmem:s13], [sflag:s8] =	dma.local [hbm:s7], $0x2780  }
0x36: {  	_ =	swait.ge [sflag:s14], $0x2780  }
0x37: {  	[sflag:s14] =	ssyncset.done $0x0  }
0x38: {  	[sflag:s14] =	ssyncadd.s32 $0xFFFFD880  }
0x39: {  	[tilespmem:s16], [sflag:$0x2] =	stream.linear.gather [hbm4b:s5+s3], $0x4000, $0x38;
	[tilespmem:$0x17D00] =	vst v63  }
0x3a: {  	_ =	swait.ge [sflag:s14], $0x4000  }
0x3b: {  	[sflag:s14] =	ssyncset.done $0x0  }
0x3c: {  	[sflag:s14] =	ssyncadd.s32 $0xFFFFC000  }
0x3d: {  	[bflag:$0x0] =	sbarrier.arrive $0xFFFF  }
0x3e: {  	[tilespmem:s3], [sflag:$0x2] =	stream.linear.gather [hbm4b:s12+s3], $0x100, $0x38;
	[tilespmem:$0x17D00] =	vst v63  }
0x3f: {  	_ =	swait.ge [sflag:s14], $0x100  }
.Ltmp2:
0x40: {  	[sflag:s14] =	ssyncset.done $0x0;
	(pc) =	sbr.rel @!p0 .LBB2_5-.Ltmp2, $4  }
0x41: {  	[sflag:s14] =	ssyncadd.s32 $0xFFFFFF00  }
0x42: {  	[spmem:s2] =	stream.indirect.scatter.add.f32 [tilespmem:s16], [sflag:$0x2], $0x80, s15, s15, $0xb8;
	[tilespmem:$0x17D00] =	vst v63  }
0x43: {  	_ =	swait.ge [sflag:s14], $0x4000  }
0x44: {  	s19 =	sadd.s32 $0xFFFFFFFF, s6;
	s20 =	smov.u32 s12;
	[sflag:s14] =	ssyncset.done $0x0  }
.LBB2_4:
0x45: {  	p0 =	sne.s32 s19, $0x1;
	[sflag:s14] =	ssyncadd.s32 $0xFFFFC000;
	s20 =	sadd.s32 $0x20, s20  }
0x46: {  	[tilespmem:s3], [sflag:$0x2] =	stream.linear.gather [hbm4b:s20+s3], $0x100, $0x38;
	[tilespmem:$0x17D00] =	vst v63  }
0x47: {  	s19 =	sadd.s32 $0xFFFFFFFF, s19;
	_ =	swait.ge [sflag:s14], $0x100  }
.Ltmp3:
0x48: {  	[sflag:s14] =	ssyncset.done $0x0;
	(pc) =	sbr.rel @p0 .LBB2_4-.Ltmp3, $4  }
0x49: {  	[sflag:s14] =	ssyncadd.s32 $0xFFFFFF00  }
0x4a: {  	[spmem:s2] =	stream.indirect.scatter.add.f32 [tilespmem:s16], [sflag:$0x2], $0x80, s15, s15, $0xb8;
	[tilespmem:$0x17D00] =	vst v63  }
0x4b: {  	_ =	swait.ge [sflag:s14], $0x4000  }
0x4c: {  	[sflag:s14] =	ssyncset.done $0x0  }
.LBB2_5:
0x4d: {  	s18 =	sadd.s32 $0x1, s18  }
0x4e: {  	[sflag:s14] =	ssyncadd.s32 $0xFFFFC000;
	p0 =	sne.s32 s18, s11  }
.Ltmp4:
0x4f: {  	[bflag:$0x0] =	sbarrier.arrive $0xFFFF;
	(pc) =	sbr.rel @p0 .LBB2_1-.Ltmp4, $4  }
0x50: {  	[hbm:s10], [sflag:s8] =	dma.local [spmem:s13], $0x2780  }
0x51: {  	_ =	swait.ge [sflag:s14], $0x2780  }
0x52: {  	[sflag:s14] =	ssyncset.done $0x0  }
0x53: {  	[sflag:s14] =	ssyncadd.s32 $0xFFFFD880  }
0x54: {  	_ =	sfence.sel $0x180000  }
0x55: {  	[bflag:$0x0] =	sbarrier.arrive $0xFFFF  }
0x56: {  	p0 =	sne.s32 s1, $0x0;
	_ =	strace $0x90000047  }
0x57: {  	s0 =	sadd.s32 @!p0 $0x100000, s0;
	[bflag:$0x2] =	sbarrier.arrive $0xFFFF  }
0x58: {  	[sflag:s0] =	ssyncadd.tile.s32 @!p0 $0x1;
	_ =	shalt  }
.Lfunc_end2:
_tile_overlayer_lowered:
.L_overlay_start_2:
0x59: {  	(tag) =	ssettag $0x2  }
0x5a: {  	s0 =	rddreg [dreg:$0x0];
	s2 =	stileid.u32  }
0x5b: {  	s1 =	rddreg [dreg:$0x1];
	p0 =	sne.s32 s2, $0x0  }
0x5c: {  	s3 =	rddreg [dreg:$0x2];
	[bflag:$0x3] =	sbarrier.arrive $0xFFFF;
	s2 =	simm.s32 @!p0 $0x1C02  }
0x5d: {  	[timem:s3], [sflag:s2] =	dma.local @!p0 [hbm:s0], s1  }
0x5e: {  	s0 =	simm.s32 @!p0 $0x2  }
0x5f: {  	_ =	swait.ge @!p0 [sflag:s0], s1  }
0x60: {  	s1 =	ssub.s32 @!p0 $0x0, s1;
	[sflag:s0] =	ssyncset.done @!p0 $0x0  }
0x61: {  	[sflag:s0] =	ssyncadd.s32 @!p0 s1  }
0x62: {  	[bflag:$0x3] =	sbarrier.arrive $0xFFFF  }
0x63: {  	_ =	shalt  }

</sc_bundles>
